<compile_context>
chip_gen: v7x
topology: tpu7x:2x2x1
jax: 0.10.2.dev20260603
libtpu: 0.0.44.dev20260713+nightly
codegen_flags: <defaults>
</compile_context>

<pallas_src>
import functools

import jax
import jax.numpy as jnp
from jax import lax
from jax.experimental import pallas as pl
from jax.experimental.pallas import tpu as pltpu
from jax.experimental.pallas import tpu_sc as plsc

N_NODES = 10000
N_EDGES = 320000
D_IN = 128
D_OUT = 64

NC, NS, L = 2, 16, 16
NW = NC * NS
CHUNK = 128
CPT = 2 * (-(-N_EDGES // (NW * CHUNK * 2)))
E_PAD = NW * CPT * CHUNK
ROW_BLK = 512
N_PAD = ROW_BLK * (-(-(N_NODES + 1) // ROW_BLK))
RPT = N_PAD // NS


DEG_K0 = 104
DEG_K1 = NW * CPT // NS - DEG_K0


def _deg_body(ei_hbm, degp_hbm, dst_all, ones_v, zcol_v, deg_sh, ssem):
    c = lax.axis_index("c")
    s = lax.axis_index("s")
    row0 = s * RPT

    for i in range(CHUNK // L):
        ones_v[pl.ds(i * L, L)] = jnp.ones((L,), jnp.float32)

    def zero(i, carry):
        zcol_v[pl.ds(i * L, L)] = jnp.zeros((L,), jnp.float32)
        return carry

    lax.fori_loop(0, RPT // L, zero, 0)
    pltpu.sync_copy(zcol_v, deg_sh.at[pl.ds(row0, RPT)])
    plsc.subcore_barrier()

    def run(base, k):
        pltpu.sync_copy(ei_hbm.at[1, pl.ds(base, k)], dst_all.at[pl.ds(0, k)])

        def body(j, carry):
            pltpu.async_copy(ones_v, deg_sh.at[dst_all.at[j]], ssem, add=True)
            return carry

        lax.fori_loop(0, k, body, 0)

        def drain(j, carry):
            pltpu.make_async_copy(ones_v, deg_sh.at[dst_all.at[0]],
                                  ssem).wait()
            return carry

        lax.fori_loop(0, k, drain, 0)

    @pl.when(c == 0)
    def _():
        run(s * DEG_K0, DEG_K0)

    @pl.when(c == 1)
    def _():
        run(NS * DEG_K0 + s * DEG_K1, DEG_K1)

    plsc.subcore_barrier()
    pltpu.sync_copy(deg_sh.at[pl.ds(row0, RPT)],
                    degp_hbm.at[pl.ds(c * N_PAD + row0, RPT)])


SCAT_K0 = 83
SCAT_K1 = NW * CPT // NS - SCAT_K0


def _scatter_body(ei_hbm, h2_hbm, accp_hbm,
                  src_all, dst_all, rows0, rows1, rows2,
                  h2_sh, acc_sh,
                  gsem0, gsem1, gsem2, ssem0, ssem1, ssem2):
    c = lax.axis_index("c")
    s = lax.axis_index("s")
    row0 = s * RPT

    pltpu.sync_copy(h2_hbm.at[pl.ds(row0, RPT)], h2_sh.at[pl.ds(row0, RPT)])

    @pl.when(c == 0)
    def _():
        pltpu.sync_copy(h2_hbm.at[pl.ds(row0, RPT)], acc_sh.at[pl.ds(row0, RPT)])

    @pl.when(c == 1)
    def _():
        def zero(i, carry):
            for k in range(D_OUT // L):
                rows0[i, pl.ds(k * L, L)] = jnp.zeros((L,), jnp.float32)
            return carry

        lax.fori_loop(0, CHUNK, zero, 0)
        for j in range(RPT // CHUNK):
            pltpu.sync_copy(rows0, acc_sh.at[pl.ds(row0 + j * CHUNK, CHUNK)])

    plsc.subcore_barrier()

    rows = (rows0, rows1, rows2)
    gsem = (gsem0, gsem1, gsem2)
    ssem = (ssem0, ssem1, ssem2)

    def pipeline(base, k, srcs):
        pltpu.sync_copy(ei_hbm.at[0, pl.ds(base, k)], src_all.at[pl.ds(0, k)])
        pltpu.sync_copy(ei_hbm.at[1, pl.ds(base, k)], dst_all.at[pl.ds(0, k)])

        def gather(j, b):
            pltpu.async_copy(srcs[b].at[src_all.at[j]], rows[b], gsem[b])

        def gwait(b):
            pltpu.make_async_copy(srcs[b].at[src_all.at[0]], rows[b],
                                  gsem[b]).wait()

        def sstart(j, b):
            pltpu.async_copy(rows[b], acc_sh.at[dst_all.at[j]], ssem[b],
                             add=True)

        def swait(b):
            pltpu.make_async_copy(rows[b], acc_sh.at[dst_all.at[0]],
                                  ssem[b]).wait()

        gather(0, 0)
        gather(1, 1)
        gwait(0)
        sstart(0, 0)
        gather(2, 2)
        gwait(1)
        sstart(1, 1)

        def body(i, carry):
            for u in range(3):
                j3 = 3 * i + 2 + u
                b = (2 + u) % 3
                swait(u)
                gather(j3 + 1, u)
                gwait(b)
                sstart(j3, b)
            return carry

        lax.fori_loop(0, (k - 5) // 3, body, 0)
        for j in range(k - 3, k):
            swait((j + 1) % 3)
            if j + 1 < k:
                gather(j + 1, (j + 1) % 3)
            gwait(j % 3)
            sstart(j, j % 3)
        swait((k - 2) % 3)
        swait((k - 1) % 3)

    @pl.when(c == 0)
    def _():
        pipeline(s * SCAT_K0, SCAT_K0, (h2_sh, h2_sh, h2_sh))

    @pl.when(c == 1)
    def _():
        pipeline(NS * SCAT_K0 + s * SCAT_K1, SCAT_K1, (h2_sh, h2_sh, h2_sh))

    plsc.subcore_barrier()
    pltpu.sync_copy(acc_sh.at[pl.ds(row0, RPT)],
                    accp_hbm.at[c, pl.ds(row0, RPT)])


def _mm_tc_body(x_ref, w_ref, g_ref):
    g_ref[...] = jnp.dot(x_ref[...], w_ref[...],
                         preferred_element_type=jnp.float32)


def _scale_tc_body(g_ref, deg0_ref, deg1_ref, h2_ref, dis_ref):
    deg = deg0_ref[...] + deg1_ref[...] + 1.0
    dis = lax.rsqrt(deg)
    h2_ref[...] = g_ref[...] * dis[:, None]
    dis_ref[...] = dis


def _final_tc_body(a0_ref, a1_ref, disr_ref, b_ref, out_ref):
    a = a0_ref[0] + a1_ref[0]
    out_ref[...] = a * disr_ref[...] + b_ref[...]


def kernel(x, edge_index, W, b):
    pad = E_PAD - N_EDGES
    ei3 = jnp.pad(edge_index.astype(jnp.int32), ((0, 0), (0, pad)),
                  constant_values=N_NODES).reshape(2, NW, CPT, CHUNK)
    b2 = jnp.concatenate([b, b]).reshape(1, 2 * D_OUT)

    mesh = plsc.VectorSubcoreMesh(core_axis_name="c", subcore_axis_name="s")

    deg_k = functools.partial(
        pl.kernel,
        out_type=jax.ShapeDtypeStruct((NC * N_PAD,), jnp.float32),
        mesh=mesh,
        scratch_types=[
            pltpu.VMEM((DEG_K0, CHUNK), jnp.int32),
            pltpu.VMEM((CHUNK,), jnp.float32),
            pltpu.VMEM((RPT,), jnp.float32),
            pltpu.VMEM_SHARED((N_PAD,), jnp.float32),
            pltpu.SemaphoreType.DMA,
        ],
    )(_deg_body)
    degp = deg_k(ei3.reshape(2, NW * CPT, CHUNK))

    MM_BLK = 2048
    mm_blocks = N_PAD // MM_BLK
    g = pl.pallas_call(
        _mm_tc_body,
        grid=(mm_blocks,),
        in_specs=[
            pl.BlockSpec((MM_BLK, D_IN), lambda i: (i, 0)),
            pl.BlockSpec((D_IN, D_OUT), lambda i: (0, 0)),
        ],
        out_specs=pl.BlockSpec((MM_BLK, D_OUT), lambda i: (i, 0)),
        out_shape=jax.ShapeDtypeStruct((N_PAD, D_OUT), jnp.float32),
    )(x, W)

    h2, dis = pl.pallas_call(
        _scale_tc_body,
        grid=(mm_blocks,),
        in_specs=[
            pl.BlockSpec((MM_BLK, D_OUT), lambda i: (i, 0)),
            pl.BlockSpec((MM_BLK,), lambda i: (i,)),
            pl.BlockSpec((MM_BLK,), lambda i: (i + mm_blocks,)),
        ],
        out_specs=[
            pl.BlockSpec((MM_BLK, D_OUT), lambda i: (i, 0)),
            pl.BlockSpec((MM_BLK,), lambda i: (i,)),
        ],
        out_shape=[
            jax.ShapeDtypeStruct((N_PAD, D_OUT), jnp.float32),
            jax.ShapeDtypeStruct((N_PAD,), jnp.float32),
        ],
    )(g, degp, degp)
    disr = jnp.broadcast_to(
        dis.reshape(N_PAD // 2, 2, 1), (N_PAD // 2, 2, D_OUT)
    ).reshape(N_PAD // 2, 2 * D_OUT)

    scat_k = functools.partial(
        pl.kernel,
        out_type=jax.ShapeDtypeStruct((NC, N_PAD, D_OUT), jnp.float32),
        mesh=mesh,
        compiler_params=pltpu.CompilerParams(use_tc_tiling_on_sc=False),
        scratch_types=(
            [
                pltpu.VMEM((SCAT_K0, CHUNK), jnp.int32),
                pltpu.VMEM((SCAT_K0, CHUNK), jnp.int32),
            ]
            + [pltpu.VMEM((CHUNK, D_OUT), jnp.float32)] * 3
            + [
                pltpu.VMEM_SHARED((N_PAD, D_OUT), jnp.float32),
                pltpu.VMEM_SHARED((N_PAD, D_OUT), jnp.float32),
            ]
            + [pltpu.SemaphoreType.DMA] * 6
        ),
    )(_scatter_body)
    accp = scat_k(ei3.reshape(2, NW * CPT, CHUNK), h2)
    ap = accp.reshape(NC, N_PAD // 2, 2 * D_OUT)

    F_BLK = 1024
    out_blocks = -(-(N_NODES // 2) // F_BLK)
    outp = pl.pallas_call(
        _final_tc_body,
        grid=(out_blocks,),
        in_specs=[
            pl.BlockSpec((1, F_BLK, 2 * D_OUT), lambda i: (0, i, 0)),
            pl.BlockSpec((1, F_BLK, 2 * D_OUT), lambda i: (1, i, 0)),
            pl.BlockSpec((F_BLK, 2 * D_OUT), lambda i: (i, 0)),
            pl.BlockSpec((1, 2 * D_OUT), lambda i: (0, 0)),
        ],
        out_specs=pl.BlockSpec((F_BLK, 2 * D_OUT), lambda i: (i, 0)),
        out_shape=jax.ShapeDtypeStruct((N_NODES // 2, 2 * D_OUT), jnp.float32),
    )(ap, ap, disr, b2)

    return outp.reshape(N_NODES, D_OUT)

# --- scband reference (transcript-rebuilt; emitter-appended) ---
"""Pipeline reference for scband-single-net-14147622273470 (READ-ONLY COPY).

The authoritative reference and input builder live on the scoring server;
editing this copy changes nothing except your own understanding.
"""

import jax, jax.numpy as jnp
import numpy as np

N_NODES = 10000
N_EDGES = 320000
D_IN = 128
D_OUT = 64

def setup_inputs(seed: int = 0) -> dict:
    key = jax.random.key(seed)
    k1, k2, k3 = jax.random.split(key, 3)
    x = jax.random.normal(k1, (N_NODES, D_IN), dtype=jnp.float32)
    edge_index = jax.random.randint(k2, (2, N_EDGES), 0, N_NODES, dtype=jnp.int64)
    # Glorot-uniform init for GCN weight, zeros for bias (PyG defaults)
    limit = float(np.sqrt(6.0 / (D_IN + D_OUT)))
    W = jax.random.uniform(k3, (D_IN, D_OUT), dtype=jnp.float32, minval=-limit, maxval=limit)
    b = jnp.zeros((D_OUT,), dtype=jnp.float32)
    return {"x": x, "edge_index": edge_index, "W": W, "b": b}

def reference(x, edge_index, W, b):
    # Faithful GCNConv (PyG semantics): add self-loops, symmetric normalization,
    # linear transform, gather messages over src, scatter-add into dst, add bias.
    N = x.shape[0]
    loop = jnp.arange(N, dtype=edge_index.dtype)
    src = jnp.concatenate([edge_index[0], loop])
    dst = jnp.concatenate([edge_index[1], loop])
    # degree computed on dst with unit edge weights (including self-loops)
    deg = jnp.zeros((N,), dtype=x.dtype).at[dst].add(1.0)
    deg_inv_sqrt = jnp.where(deg > 0, jax.lax.rsqrt(deg), 0.0)
    norm = deg_inv_sqrt[src] * deg_inv_sqrt[dst]
    h = x @ W
    msg = h[src] * norm[:, None]
    out = jnp.zeros((N, W.shape[1]), dtype=x.dtype).at[dst].add(msg)
    return out + b

if __name__ == "__main__":
    import jax
    _d = setup_inputs()
    print(jax.jit(kernel)(*tuple(_d.values())))

</pallas_src>

<mosaic_0001>
#map = affine_map<(d0, d1) -> (0, 0, 0)>
#map1 = affine_map<(d0, d1) -> (0)>
module attributes {stable_mosaic.version = 14 : i64} {
  func.func @_deg_body(%arg0: i32, %arg1: i32, %arg2: memref<2x2560x128xi32, #tpu.memory_space<hbm>>, %arg3: memref<20480xf32, #tpu.memory_space<hbm>>, %arg4: memref<104x128xi32, #tpu.memory_space<vmem>>, %arg5: memref<128xf32, #tpu.memory_space<vmem>>, %arg6: memref<640xf32, #tpu.memory_space<vmem>>, %arg7: memref<10240xf32, #tpu.memory_space<vmem_shared>>, %arg8: memref<!tpu.dma_semaphore, #tpu.memory_space<semaphore_mem>>) attributes {dimension_semantics = [#tpu.dimension_semantics<core_parallel>, #tpu.dimension_semantics<subcore_parallel>], iteration_bounds = array<i64: 2, 16>, scalar_prefetch = 0 : i64, scratch_operands = 5 : i64, tpu.core_type = #tpu.core_type<sc_vector_subcore>, window_params = [{transform_indices = #map}, {transform_indices = #map1}]} {
    %mul3A = arith.constant 640 : i32
    %mul3A_0 = arith.muli %arg1, %mul3A : i32
    %broadcast_in_dim3A = arith.constant 1.000000e+00 : f32
    %broadcast_in_dim3A_1 = vector.broadcast %broadcast_in_dim3A : f32 to vector<16xf32>
    %swap3A = arith.constant 0 : index
    %swap3A_2 = tpu.vector_load %arg5[%swap3A] {strides = array<i32>} : memref<128xf32, #tpu.memory_space<vmem>>, vector<16xf32>,
    %swap3A_3 = vector.shape_cast %swap3A_2 : vector<16xf32> to vector<16xf32>
    %swap3A_4 = vector.shape_cast %broadcast_in_dim3A_1 : vector<16xf32> to vector<16xf32>
    tpu.vector_store %arg5[%swap3A], %swap3A_4 {strides = array<i32>} : memref<128xf32, #tpu.memory_space<vmem>>, vector<16xf32>,
    %broadcast_in_dim3A_5 = arith.constant 1.000000e+00 : f32
    %broadcast_in_dim3A_6 = vector.broadcast %broadcast_in_dim3A_5 : f32 to vector<16xf32>
    %swap3A_7 = arith.constant 16 : index
    %swap3A_8 = tpu.vector_load %arg5[%swap3A_7] {strides = array<i32>} : memref<128xf32, #tpu.memory_space<vmem>>, vector<16xf32>,
    %swap3A_9 = vector.shape_cast %swap3A_8 : vector<16xf32> to vector<16xf32>
    %swap3A_10 = vector.shape_cast %broadcast_in_dim3A_6 : vector<16xf32> to vector<16xf32>
    tpu.vector_store %arg5[%swap3A_7], %swap3A_10 {strides = array<i32>} : memref<128xf32, #tpu.memory_space<vmem>>, vector<16xf32>,
    %broadcast_in_dim3A_11 = arith.constant 1.000000e+00 : f32
    %broadcast_in_dim3A_12 = vector.broadcast %broadcast_in_dim3A_11 : f32 to vector<16xf32>
    %swap3A_13 = arith.constant 32 : index
    %swap3A_14 = tpu.vector_load %arg5[%swap3A_13] {strides = array<i32>} : memref<128xf32, #tpu.memory_space<vmem>>, vector<16xf32>,
    %swap3A_15 = vector.shape_cast %swap3A_14 : vector<16xf32> to vector<16xf32>
    %swap3A_16 = vector.shape_cast %broadcast_in_dim3A_12 : vector<16xf32> to vector<16xf32>
    tpu.vector_store %arg5[%swap3A_13], %swap3A_16 {strides = array<i32>} : memref<128xf32, #tpu.memory_space<vmem>>, vector<16xf32>,
    %broadcast_in_dim3A_17 = arith.constant 1.000000e+00 : f32
    %broadcast_in_dim3A_18 = vector.broadcast %broadcast_in_dim3A_17 : f32 to vector<16xf32>
    %swap3A_19 = arith.constant 48 : index
    %swap3A_20 = tpu.vector_load %arg5[%swap3A_19] {strides = array<i32>} : memref<128xf32, #tpu.memory_space<vmem>>, vector<16xf32>,
    %swap3A_21 = vector.shape_cast %swap3A_20 : vector<16xf32> to vector<16xf32>
    %swap3A_22 = vector.shape_cast %broadcast_in_dim3A_18 : vector<16xf32> to vector<16xf32>
    tpu.vector_store %arg5[%swap3A_19], %swap3A_22 {strides = array<i32>} : memref<128xf32, #tpu.memory_space<vmem>>, vector<16xf32>,
    %broadcast_in_dim3A_23 = arith.constant 1.000000e+00 : f32
    %broadcast_in_dim3A_24 = vector.broadcast %broadcast_in_dim3A_23 : f32 to vector<16xf32>
    %swap3A_25 = arith.constant 64 : index
    %swap3A_26 = tpu.vector_load %arg5[%swap3A_25] {strides = array<i32>} : memref<128xf32, #tpu.memory_space<vmem>>, vector<16xf32>,
    %swap3A_27 = vector.shape_cast %swap3A_26 : vector<16xf32> to vector<16xf32>
    %swap3A_28 = vector.shape_cast %broadcast_in_dim3A_24 : vector<16xf32> to vector<16xf32>
    tpu.vector_store %arg5[%swap3A_25], %swap3A_28 {strides = array<i32>} : memref<128xf32, #tpu.memory_space<vmem>>, vector<16xf32>,
    %broadcast_in_dim3A_29 = arith.constant 1.000000e+00 : f32
    %broadcast_in_dim3A_30 = vector.broadcast %broadcast_in_dim3A_29 : f32 to vector<16xf32>
    %swap3A_31 = arith.constant 80 : index
    %swap3A_32 = tpu.vector_load %arg5[%swap3A_31] {strides = array<i32>} : memref<128xf32, #tpu.memory_space<vmem>>, vector<16xf32>,
    %swap3A_33 = vector.shape_cast %swap3A_32 : vector<16xf32> to vector<16xf32>
    %swap3A_34 = vector.shape_cast %broadcast_in_dim3A_30 : vector<16xf32> to vector<16xf32>
    tpu.vector_store %arg5[%swap3A_31], %swap3A_34 {strides = array<i32>} : memref<128xf32, #tpu.memory_space<vmem>>, vector<16xf32>,
    %broadcast_in_dim3A_35 = arith.constant 1.000000e+00 : f32
    %broadcast_in_dim3A_36 = vector.broadcast %broadcast_in_dim3A_35 : f32 to vector<16xf32>
    %swap3A_37 = arith.constant 96 : index
    %swap3A_38 = tpu.vector_load %arg5[%swap3A_37] {strides = array<i32>} : memref<128xf32, #tpu.memory_space<vmem>>, vector<16xf32>,
    %swap3A_39 = vector.shape_cast %swap3A_38 : vector<16xf32> to vector<16xf32>
    %swap3A_40 = vector.shape_cast %broadcast_in_dim3A_36 : vector<16xf32> to vector<16xf32>
    tpu.vector_store %arg5[%swap3A_37], %swap3A_40 {strides = array<i32>} : memref<128xf32, #tpu.memory_space<vmem>>, vector<16xf32>,
    %broadcast_in_dim3A_41 = arith.constant 1.000000e+00 : f32
    %broadcast_in_dim3A_42 = vector.broadcast %broadcast_in_dim3A_41 : f32 to vector<16xf32>
    %swap3A_43 = arith.constant 112 : index
    %swap3A_44 = tpu.vector_load %arg5[%swap3A_43] {strides = array<i32>} : memref<128xf32, #tpu.memory_space<vmem>>, vector<16xf32>,
    %swap3A_45 = vector.shape_cast %swap3A_44 : vector<16xf32> to vector<16xf32>
    %swap3A_46 = vector.shape_cast %broadcast_in_dim3A_42 : vector<16xf32> to vector<16xf32>
    tpu.vector_store %arg5[%swap3A_43], %swap3A_46 {strides = array<i32>} : memref<128xf32, #tpu.memory_space<vmem>>, vector<16xf32>,
    %scan3A = arith.constant 0 : i32
    %scan3A_47 = arith.constant 0 : i32
    %scan3A_48 = arith.constant 40 : i32
    %scan3A_49 = arith.addi %scan3A_47, %scan3A_48 : i32
    %scan3A_50 = arith.constant 1 : i32
    scf.for %scan3A_62 = %scan3A_47 to %scan3A_49 step %scan3A_50  : i32 {
      %broadcast_in_dim3A_63 = arith.constant 0.000000e+00 : f32
      %broadcast_in_dim3A_64 = vector.broadcast %broadcast_in_dim3A_63 : f32 to vector<16xf32>
      %mul3A_65 = arith.constant 16 : i32
      %mul3A_66 = arith.muli %scan3A_62, %mul3A_65 : i32
      %swap3A_67 = arith.index_cast %mul3A_66 : i32 to index
      %swap3A_68 = tpu.vector_load %arg6[%swap3A_67] {strides = array<i32>} : memref<640xf32, #tpu.memory_space<vmem>>, vector<16xf32>,
      %swap3A_69 = vector.shape_cast %swap3A_68 : vector<16xf32> to vector<16xf32>
      %swap3A_70 = vector.shape_cast %broadcast_in_dim3A_64 : vector<16xf32> to vector<16xf32>
      tpu.vector_store %arg6[%swap3A_67], %swap3A_70 {strides = array<i32>} : memref<640xf32, #tpu.memory_space<vmem>>, vector<16xf32>,
    }
    %scan3A_51 = arith.constant 40 : i32
    "tpu.region"() ({
      %run_scoped3A = tpu.sem_alloc : memref<!tpu.dma_semaphore, #tpu.memory_space<semaphore_mem>>
      %dma_start3A = tpu.memref_slice %arg7[%mul3A_0] : memref<10240xf32, #tpu.memory_space<vmem_shared>> -> memref<640xf32, #tpu.memory_space<vmem_shared>>
      %dma_start3A_62 = tpu.memref_slice %arg7[%mul3A_0] : memref<10240xf32, #tpu.memory_space<vmem_shared>> -> memref<640xf32, #tpu.memory_space<vmem_shared>>
      tpu.enqueue_dma source(%arg6 : memref<640xf32, #tpu.memory_space<vmem>>) target(%dma_start3A_62 : memref<640xf32, #tpu.memory_space<vmem_shared>>) target_semaphore(%run_scoped3A : memref<!tpu.dma_semaphore, #tpu.memory_space<semaphore_mem>>)
      %dma_wait3A = tpu.memref_slice %arg7[%mul3A_0] : memref<10240xf32, #tpu.memory_space<vmem_shared>> -> memref<640xf32, #tpu.memory_space<vmem_shared>>
      %dma_wait3A_63 = tpu.memref_slice %arg7[%mul3A_0] : memref<10240xf32, #tpu.memory_space<vmem_shared>> -> memref<640xf32, #tpu.memory_space<vmem_shared>>
      tpu.wait_dma2 semaphore(%run_scoped3A : memref<!tpu.dma_semaphore, #tpu.memory_space<semaphore_mem>>) src(%arg6 : memref<640xf32, #tpu.memory_space<vmem>>) dst(%dma_wait3A_63 : memref<640xf32, #tpu.memory_space<vmem_shared>>)
      tpu.yield
    }) : () -> ()
    %barrier3A = arith.constant 0 : index
    tpu.barrier barrier_id(%barrier3A)
    %eq3A = arith.constant 0 : i32
    %eq3A_52 = arith.cmpi eq, %arg0, %eq3A : i32
    %convert_element_type3A = arith.extui %eq3A_52 : i1 to i32
    %cond3A = arith.constant 0 : i32
    %cond3A_53 = arith.cmpi ne, %convert_element_type3A, %cond3A : i32
    scf.if %cond3A_53 {
      %mul3A_62 = arith.constant 104 : i32
      %mul3A_63 = arith.muli %arg1, %mul3A_62 : i32
      %run_scoped3A = arith.constant 1 : i32
      "tpu.region"() ({
        %run_scoped3A_76 = tpu.sem_alloc : memref<!tpu.dma_semaphore, #tpu.memory_space<semaphore_mem>>
        %dma_start3A = arith.constant 0 : i32
        %dma_start3A_77 = arith.constant 0 : i32
        %dma_start3A_78 = tpu.memref_slice %arg4[%dma_start3A, %dma_start3A_77] : memref<104x128xi32, #tpu.memory_space<vmem>> -> memref<104x128xi32, #tpu.memory_space<vmem>>
        %dma_start3A_79 = arith.constant 0 : i32
        %dma_start3A_80 = tpu.memref_slice %arg2[%run_scoped3A, %mul3A_63, %dma_start3A_79] : memref<2x2560x128xi32, #tpu.memory_space<hbm>> -> memref<1x104x128xi32, #tpu.memory_space<hbm>>
        %dma_start3A_81 = tpu.memref_squeeze %dma_start3A_80 : memref<1x104x128xi32, #tpu.memory_space<hbm>> -> memref<104x128xi32, #tpu.memory_space<hbm>>
        %dma_start3A_82 = arith.constant 0 : i32
        %dma_start3A_83 = arith.constant 0 : i32
        %dma_start3A_84 = tpu.memref_slice %arg4[%dma_start3A_82, %dma_start3A_83] : memref<104x128xi32, #tpu.memory_space<vmem>> -> memref<104x128xi32, #tpu.memory_space<vmem>>
        %dma_start3A_85 = arith.constant 0 : i32
        %dma_start3A_86 = tpu.memref_slice %arg2[%run_scoped3A, %mul3A_63, %dma_start3A_85] : memref<2x2560x128xi32, #tpu.memory_space<hbm>> -> memref<1x104x128xi32, #tpu.memory_space<hbm>>
        %dma_start3A_87 = tpu.memref_squeeze %dma_start3A_86 : memref<1x104x128xi32, #tpu.memory_space<hbm>> -> memref<104x128xi32, #tpu.memory_space<hbm>>
        tpu.enqueue_dma source(%dma_start3A_87 : memref<104x128xi32, #tpu.memory_space<hbm>>) target(%dma_start3A_84 : memref<104x128xi32, #tpu.memory_space<vmem>>) target_semaphore(%run_scoped3A_76 : memref<!tpu.dma_semaphore, #tpu.memory_space<semaphore_mem>>)
        %dma_wait3A = arith.constant 0 : i32
        %dma_wait3A_88 = arith.constant 0 : i32
        %dma_wait3A_89 = tpu.memref_slice %arg4[%dma_wait3A, %dma_wait3A_88] : memref<104x128xi32, #tpu.memory_space<vmem>> -> memref<104x128xi32, #tpu.memory_space<vmem>>
        %dma_wait3A_90 = arith.constant 0 : i32
        %dma_wait3A_91 = tpu.memref_slice %arg2[%run_scoped3A, %mul3A_63, %dma_wait3A_90] : memref<2x2560x128xi32, #tpu.memory_space<hbm>> -> memref<1x104x128xi32, #tpu.memory_space<hbm>>
        %dma_wait3A_92 = tpu.memref_squeeze %dma_wait3A_91 : memref<1x104x128xi32, #tpu.memory_space<hbm>> -> memref<104x128xi32, #tpu.memory_space<hbm>>
        %dma_wait3A_93 = arith.constant 0 : i32
        %dma_wait3A_94 = arith.constant 0 : i32
        %dma_wait3A_95 = tpu.memref_slice %arg4[%dma_wait3A_93, %dma_wait3A_94] : memref<104x128xi32, #tpu.memory_space<vmem>> -> memref<104x128xi32, #tpu.memory_space<vmem>>
        %dma_wait3A_96 = arith.constant 0 : i32
        %dma_wait3A_97 = tpu.memref_slice %arg2[%run_scoped3A, %mul3A_63, %dma_wait3A_96] : memref<2x2560x128xi32, #tpu.memory_space<hbm>> -> memref<1x104x128xi32, #tpu.memory_space<hbm>>
        %dma_wait3A_98 = tpu.memref_squeeze %dma_wait3A_97 : memref<1x104x128xi32, #tpu.memory_space<hbm>> -> memref<104x128xi32, #tpu.memory_space<hbm>>
        tpu.wait_dma2 semaphore(%run_scoped3A_76 : memref<!tpu.dma_semaphore, #tpu.memory_space<semaphore_mem>>) src(%dma_wait3A_98 : memref<104x128xi32, #tpu.memory_space<hbm>>) dst(%dma_wait3A_95 : memref<104x128xi32, #tpu.memory_space<vmem>>)
        tpu.yield
      }) : () -> ()
      %scan3A_64 = arith.constant 0 : i32
      %scan3A_65 = arith.constant 0 : i32
      %scan3A_66 = arith.constant 104 : i32
      %scan3A_67 = arith.addi %scan3A_65, %scan3A_66 : i32
      %scan3A_68 = arith.constant 1 : i32
      scf.for %scan3A_76 = %scan3A_65 to %scan3A_67 step %scan3A_68  : i32 {
        %dma_start3A = arith.constant 0 : i32
        %dma_start3A_77 = tpu.memref_slice %arg4[%scan3A_76, %dma_start3A] : memref<104x128xi32, #tpu.memory_space<vmem>> -> memref<1x128xi32, #tpu.memory_space<vmem>>
        %dma_start3A_78 = tpu.memref_squeeze %dma_start3A_77 : memref<1x128xi32, #tpu.memory_space<vmem>> -> memref<128xi32, #tpu.memory_space<vmem>>
        %dma_start3A_79 = arith.constant 0 : i32
        %dma_start3A_80 = tpu.memref_slice %arg7[%dma_start3A_79] : memref<10240xf32, #tpu.memory_space<vmem_shared>> -> memref<10240xf32, #tpu.memory_space<vmem_shared>>
        tpu.enqueue_indirect_dma source(%arg5 : memref<128xf32, #tpu.memory_space<vmem>>) target(%dma_start3A_80 : memref<10240xf32, #tpu.memory_space<vmem_shared>>) offsets(%dma_start3A_78 : memref<128xi32, #tpu.memory_space<vmem>>) semaphore(%arg8 : memref<!tpu.dma_semaphore, #tpu.memory_space<semaphore_mem>>) {add = true}
      }
      %scan3A_69 = arith.constant 104 : i32
      %scan3A_70 = arith.constant 0 : i32
      %scan3A_71 = arith.constant 0 : i32
      %scan3A_72 = arith.constant 104 : i32
      %scan3A_73 = arith.addi %scan3A_71, %scan3A_72 : i32
      %scan3A_74 = arith.constant 1 : i32
      scf.for %scan3A_76 = %scan3A_71 to %scan3A_73 step %scan3A_74  : i32 {
        %dma_wait3A = arith.constant 0 : i32
        %dma_wait3A_77 = arith.constant 0 : i32
        %dma_wait3A_78 = tpu.memref_slice %arg4[%dma_wait3A, %dma_wait3A_77] : memref<104x128xi32, #tpu.memory_space<vmem>> -> memref<1x128xi32, #tpu.memory_space<vmem>>
        %dma_wait3A_79 = tpu.memref_squeeze %dma_wait3A_78 : memref<1x128xi32, #tpu.memory_space<vmem>> -> memref<128xi32, #tpu.memory_space<vmem>>
        %dma_wait3A_80 = arith.constant 0 : i32
        %dma_wait3A_81 = tpu.memref_slice %arg7[%dma_wait3A_80] : memref<10240xf32, #tpu.memory_space<vmem_shared>> -> memref<10240xf32, #tpu.memory_space<vmem_shared>>
        tpu.wait_indirect_dma semaphore(%arg8 : memref<!tpu.dma_semaphore, #tpu.memory_space<semaphore_mem>>) src(%arg5 : memref<128xf32, #tpu.memory_space<vmem>>) dst(%dma_wait3A_81 : memref<10240xf32, #tpu.memory_space<vmem_shared>>)
      }
      %scan3A_75 = arith.constant 104 : i32
    } else {
    }
    %eq3A_54 = arith.constant 1 : i32
    %eq3A_55 = arith.cmpi eq, %arg0, %eq3A_54 : i32
    %convert_element_type3A_56 = arith.extui %eq3A_55 : i1 to i32
    %cond3A_57 = arith.constant 0 : i32
    %cond3A_58 = arith.cmpi ne, %convert_element_type3A_56, %cond3A_57 : i32
    scf.if %cond3A_58 {
      %mul3A_62 = arith.constant 56 : i32
      %mul3A_63 = arith.muli %arg1, %mul3A_62 : i32
      %add3A_64 = arith.constant 1664 : i32
      %add3A_65 = arith.addi %add3A_64, %mul3A_63 : i32
      %run_scoped3A = arith.constant 1 : i32
      "tpu.region"() ({
        %run_scoped3A_78 = tpu.sem_alloc : memref<!tpu.dma_semaphore, #tpu.memory_space<semaphore_mem>>
        %dma_start3A = arith.constant 0 : i32
        %dma_start3A_79 = arith.constant 0 : i32
        %dma_start3A_80 = tpu.memref_slice %arg4[%dma_start3A, %dma_start3A_79] : memref<104x128xi32, #tpu.memory_space<vmem>> -> memref<56x128xi32, #tpu.memory_space<vmem>>
        %dma_start3A_81 = arith.constant 0 : i32
        %dma_start3A_82 = tpu.memref_slice %arg2[%run_scoped3A, %add3A_65, %dma_start3A_81] : memref<2x2560x128xi32, #tpu.memory_space<hbm>> -> memref<1x56x128xi32, #tpu.memory_space<hbm>>
        %dma_start3A_83 = tpu.memref_squeeze %dma_start3A_82 : memref<1x56x128xi32, #tpu.memory_space<hbm>> -> memref<56x128xi32, #tpu.memory_space<hbm>>
        %dma_start3A_84 = arith.constant 0 : i32
        %dma_start3A_85 = arith.constant 0 : i32
        %dma_start3A_86 = tpu.memref_slice %arg4[%dma_start3A_84, %dma_start3A_85] : memref<104x128xi32, #tpu.memory_space<vmem>> -> memref<56x128xi32, #tpu.memory_space<vmem>>
        %dma_start3A_87 = arith.constant 0 : i32
        %dma_start3A_88 = tpu.memref_slice %arg2[%run_scoped3A, %add3A_65, %dma_start3A_87] : memref<2x2560x128xi32, #tpu.memory_space<hbm>> -> memref<1x56x128xi32, #tpu.memory_space<hbm>>
        %dma_start3A_89 = tpu.memref_squeeze %dma_start3A_88 : memref<1x56x128xi32, #tpu.memory_space<hbm>> -> memref<56x128xi32, #tpu.memory_space<hbm>>
        tpu.enqueue_dma source(%dma_start3A_89 : memref<56x128xi32, #tpu.memory_space<hbm>>) target(%dma_start3A_86 : memref<56x128xi32, #tpu.memory_space<vmem>>) target_semaphore(%run_scoped3A_78 : memref<!tpu.dma_semaphore, #tpu.memory_space<semaphore_mem>>)
        %dma_wait3A = arith.constant 0 : i32
        %dma_wait3A_90 = arith.constant 0 : i32
        %dma_wait3A_91 = tpu.memref_slice %arg4[%dma_wait3A, %dma_wait3A_90] : memref<104x128xi32, #tpu.memory_space<vmem>> -> memref<56x128xi32, #tpu.memory_space<vmem>>
        %dma_wait3A_92 = arith.constant 0 : i32
        %dma_wait3A_93 = tpu.memref_slice %arg2[%run_scoped3A, %add3A_65, %dma_wait3A_92] : memref<2x2560x128xi32, #tpu.memory_space<hbm>> -> memref<1x56x128xi32, #tpu.memory_space<hbm>>
        %dma_wait3A_94 = tpu.memref_squeeze %dma_wait3A_93 : memref<1x56x128xi32, #tpu.memory_space<hbm>> -> memref<56x128xi32, #tpu.memory_space<hbm>>
        %dma_wait3A_95 = arith.constant 0 : i32
        %dma_wait3A_96 = arith.constant 0 : i32
        %dma_wait3A_97 = tpu.memref_slice %arg4[%dma_wait3A_95, %dma_wait3A_96] : memref<104x128xi32, #tpu.memory_space<vmem>> -> memref<56x128xi32, #tpu.memory_space<vmem>>
        %dma_wait3A_98 = arith.constant 0 : i32
        %dma_wait3A_99 = tpu.memref_slice %arg2[%run_scoped3A, %add3A_65, %dma_wait3A_98] : memref<2x2560x128xi32, #tpu.memory_space<hbm>> -> memref<1x56x128xi32, #tpu.memory_space<hbm>>
        %dma_wait3A_100 = tpu.memref_squeeze %dma_wait3A_99 : memref<1x56x128xi32, #tpu.memory_space<hbm>> -> memref<56x128xi32, #tpu.memory_space<hbm>>
        tpu.wait_dma2 semaphore(%run_scoped3A_78 : memref<!tpu.dma_semaphore, #tpu.memory_space<semaphore_mem>>) src(%dma_wait3A_100 : memref<56x128xi32, #tpu.memory_space<hbm>>) dst(%dma_wait3A_97 : memref<56x128xi32, #tpu.memory_space<vmem>>)
        tpu.yield
      }) : () -> ()
      %scan3A_66 = arith.constant 0 : i32
      %scan3A_67 = arith.constant 0 : i32
      %scan3A_68 = arith.constant 56 : i32
      %scan3A_69 = arith.addi %scan3A_67, %scan3A_68 : i32
      %scan3A_70 = arith.constant 1 : i32
      scf.for %scan3A_78 = %scan3A_67 to %scan3A_69 step %scan3A_70  : i32 {
        %dma_start3A = arith.constant 0 : i32
        %dma_start3A_79 = tpu.memref_slice %arg4[%scan3A_78, %dma_start3A] : memref<104x128xi32, #tpu.memory_space<vmem>> -> memref<1x128xi32, #tpu.memory_space<vmem>>
        %dma_start3A_80 = tpu.memref_squeeze %dma_start3A_79 : memref<1x128xi32, #tpu.memory_space<vmem>> -> memref<128xi32, #tpu.memory_space<vmem>>
        %dma_start3A_81 = arith.constant 0 : i32
        %dma_start3A_82 = tpu.memref_slice %arg7[%dma_start3A_81] : memref<10240xf32, #tpu.memory_space<vmem_shared>> -> memref<10240xf32, #tpu.memory_space<vmem_shared>>
        tpu.enqueue_indirect_dma source(%arg5 : memref<128xf32, #tpu.memory_space<vmem>>) target(%dma_start3A_82 : memref<10240xf32, #tpu.memory_space<vmem_shared>>) offsets(%dma_start3A_80 : memref<128xi32, #tpu.memory_space<vmem>>) semaphore(%arg8 : memref<!tpu.dma_semaphore, #tpu.memory_space<semaphore_mem>>) {add = true}
      }
      %scan3A_71 = arith.constant 56 : i32
      %scan3A_72 = arith.constant 0 : i32
      %scan3A_73 = arith.constant 0 : i32
      %scan3A_74 = arith.constant 56 : i32
      %scan3A_75 = arith.addi %scan3A_73, %scan3A_74 : i32
      %scan3A_76 = arith.constant 1 : i32
      scf.for %scan3A_78 = %scan3A_73 to %scan3A_75 step %scan3A_76  : i32 {
        %dma_wait3A = arith.constant 0 : i32
        %dma_wait3A_79 = arith.constant 0 : i32
        %dma_wait3A_80 = tpu.memref_slice %arg4[%dma_wait3A, %dma_wait3A_79] : memref<104x128xi32, #tpu.memory_space<vmem>> -> memref<1x128xi32, #tpu.memory_space<vmem>>
        %dma_wait3A_81 = tpu.memref_squeeze %dma_wait3A_80 : memref<1x128xi32, #tpu.memory_space<vmem>> -> memref<128xi32, #tpu.memory_space<vmem>>
        %dma_wait3A_82 = arith.constant 0 : i32
        %dma_wait3A_83 = tpu.memref_slice %arg7[%dma_wait3A_82] : memref<10240xf32, #tpu.memory_space<vmem_shared>> -> memref<10240xf32, #tpu.memory_space<vmem_shared>>
        tpu.wait_indirect_dma semaphore(%arg8 : memref<!tpu.dma_semaphore, #tpu.memory_space<semaphore_mem>>) src(%arg5 : memref<128xf32, #tpu.memory_space<vmem>>) dst(%dma_wait3A_83 : memref<10240xf32, #tpu.memory_space<vmem_shared>>)
      }
      %scan3A_77 = arith.constant 56 : i32
    } else {
    }
    %barrier3A_59 = arith.constant 0 : index
    tpu.barrier barrier_id(%barrier3A_59)
    %mul3A_60 = arith.constant 10240 : i32
    %mul3A_61 = arith.muli %arg0, %mul3A_60 : i32
    %add3A = arith.addi %mul3A_61, %mul3A_0 : i32
    "tpu.region"() ({
      %run_scoped3A = tpu.sem_alloc : memref<!tpu.dma_semaphore, #tpu.memory_space<semaphore_mem>>
      %dma_start3A = tpu.memref_slice %arg3[%add3A] : memref<20480xf32, #tpu.memory_space<hbm>> -> memref<640xf32, #tpu.memory_space<hbm>>
      %dma_start3A_62 = tpu.memref_slice %arg7[%mul3A_0] : memref<10240xf32, #tpu.memory_space<vmem_shared>> -> memref<640xf32, #tpu.memory_space<vmem_shared>>
      tpu.enqueue_dma source(%dma_start3A_62 : memref<640xf32, #tpu.memory_space<vmem_shared>>) target(%dma_start3A : memref<640xf32, #tpu.memory_space<hbm>>) target_semaphore(%run_scoped3A : memref<!tpu.dma_semaphore, #tpu.memory_space<semaphore_mem>>)
      %dma_wait3A = tpu.memref_slice %arg3[%add3A] : memref<20480xf32, #tpu.memory_space<hbm>> -> memref<640xf32, #tpu.memory_space<hbm>>
      %dma_wait3A_63 = tpu.memref_slice %arg7[%mul3A_0] : memref<10240xf32, #tpu.memory_space<vmem_shared>> -> memref<640xf32, #tpu.memory_space<vmem_shared>>
      tpu.wait_dma2 semaphore(%run_scoped3A : memref<!tpu.dma_semaphore, #tpu.memory_space<semaphore_mem>>) src(%dma_wait3A_63 : memref<640xf32, #tpu.memory_space<vmem_shared>>) dst(%dma_wait3A : memref<640xf32, #tpu.memory_space<hbm>>)
      tpu.yield
    }) : () -> ()
    return
  }
}

#map = affine_map<(d0, d1) -> (0, 0, 0)>
#map1 = affine_map<(d0, d1) -> (0, 0)>
module attributes {stable_mosaic.version = 14 : i64} {
  func.func @_scatter_body(%arg0: i32, %arg1: i32, %arg2: memref<2x2560x128xi32, #tpu.memory_space<hbm>>, %arg3: memref<10240x64xf32, #tpu.memory_space<hbm>>, %arg4: memref<2x10240x64xf32, #tpu.memory_space<hbm>>, %arg5: memref<83x128xi32, #tpu.memory_space<vmem>>, %arg6: memref<83x128xi32, #tpu.memory_space<vmem>>, %arg7: memref<128x64xf32, #tpu.memory_space<vmem>>, %arg8: memref<128x64xf32, #tpu.memory_space<vmem>>, %arg9: memref<128x64xf32, #tpu.memory_space<vmem>>, %arg10: memref<10240x64xf32, #tpu.memory_space<vmem_shared>>, %arg11: memref<10240x64xf32, #tpu.memory_space<vmem_shared>>, %arg12: memref<!tpu.dma_semaphore, #tpu.memory_space<semaphore_mem>>, %arg13: memref<!tpu.dma_semaphore, #tpu.memory_space<semaphore_mem>>, %arg14: memref<!tpu.dma_semaphore, #tpu.memory_space<semaphore_mem>>, %arg15: memref<!tpu.dma_semaphore, #tpu.memory_space<semaphore_mem>>, %arg16: memref<!tpu.dma_semaphore, #tpu.memory_space<semaphore_mem>>, %arg17: memref<!tpu.dma_semaphore, #tpu.memory_space<semaphore_mem>>) attributes {dimension_semantics = [#tpu.dimension_semantics<core_parallel>, #tpu.dimension_semantics<subcore_parallel>], iteration_bounds = array<i64: 2, 16>, scalar_prefetch = 0 : i64, scratch_operands = 13 : i64, tpu.core_type = #tpu.core_type<sc_vector_subcore>, window_params = [{transform_indices = #map}, {transform_indices = #map1}, {transform_indices = #map}]} {
    %mul3A = arith.constant 640 : i32
    %mul3A_0 = arith.muli %arg1, %mul3A : i32
    "tpu.region"() ({
      %run_scoped3A = tpu.sem_alloc : memref<!tpu.dma_semaphore, #tpu.memory_space<semaphore_mem>>
      %dma_start3A = arith.constant 0 : i32
      %dma_start3A_19 = tpu.memref_slice %arg10[%mul3A_0, %dma_start3A] : memref<10240x64xf32, #tpu.memory_space<vmem_shared>> -> memref<640x64xf32, #tpu.memory_space<vmem_shared>>
      %dma_start3A_20 = arith.constant 0 : i32
      %dma_start3A_21 = tpu.memref_slice %arg3[%mul3A_0, %dma_start3A_20] : memref<10240x64xf32, #tpu.memory_space<hbm>> -> memref<640x64xf32, #tpu.memory_space<hbm>>
      tpu.enqueue_dma source(%dma_start3A_21 : memref<640x64xf32, #tpu.memory_space<hbm>>) target(%dma_start3A_19 : memref<640x64xf32, #tpu.memory_space<vmem_shared>>) target_semaphore(%run_scoped3A : memref<!tpu.dma_semaphore, #tpu.memory_space<semaphore_mem>>)
      %dma_wait3A = arith.constant 0 : i32
      %dma_wait3A_22 = tpu.memref_slice %arg10[%mul3A_0, %dma_wait3A] : memref<10240x64xf32, #tpu.memory_space<vmem_shared>> -> memref<640x64xf32, #tpu.memory_space<vmem_shared>>
      %dma_wait3A_23 = arith.constant 0 : i32
      %dma_wait3A_24 = tpu.memref_slice %arg3[%mul3A_0, %dma_wait3A_23] : memref<10240x64xf32, #tpu.memory_space<hbm>> -> memref<640x64xf32, #tpu.memory_space<hbm>>
      tpu.wait_dma2 semaphore(%run_scoped3A : memref<!tpu.dma_semaphore, #tpu.memory_space<semaphore_mem>>) src(%dma_wait3A_24 : memref<640x64xf32, #tpu.memory_space<hbm>>) dst(%dma_wait3A_22 : memref<640x64xf32, #tpu.memory_space<vmem_shared>>)
      tpu.yield
    }) : () -> ()
    %eq3A = arith.constant 0 : i32
    %eq3A_1 = arith.cmpi eq, %arg0, %eq3A : i32
    %convert_element_type3A = arith.extui %eq3A_1 : i1 to i32
    %cond3A = arith.constant 0 : i32
    %cond3A_2 = arith.cmpi ne, %convert_element_type3A, %cond3A : i32
    scf.if %cond3A_2 {
      "tpu.region"() ({
        %run_scoped3A = tpu.sem_alloc : memref<!tpu.dma_semaphore, #tpu.memory_space<semaphore_mem>>
        %dma_start3A = arith.constant 0 : i32
        %dma_start3A_19 = tpu.memref_slice %arg11[%mul3A_0, %dma_start3A] : memref<10240x64xf32, #tpu.memory_space<vmem_shared>> -> memref<640x64xf32, #tpu.memory_space<vmem_shared>>
        %dma_start3A_20 = arith.constant 0 : i32
        %dma_start3A_21 = tpu.memref_slice %arg3[%mul3A_0, %dma_start3A_20] : memref<10240x64xf32, #tpu.memory_space<hbm>> -> memref<640x64xf32, #tpu.memory_space<hbm>>
        tpu.enqueue_dma source(%dma_start3A_21 : memref<640x64xf32, #tpu.memory_space<hbm>>) target(%dma_start3A_19 : memref<640x64xf32, #tpu.memory_space<vmem_shared>>) target_semaphore(%run_scoped3A : memref<!tpu.dma_semaphore, #tpu.memory_space<semaphore_mem>>)
        %dma_wait3A = arith.constant 0 : i32
        %dma_wait3A_22 = tpu.memref_slice %arg11[%mul3A_0, %dma_wait3A] : memref<10240x64xf32, #tpu.memory_space<vmem_shared>> -> memref<640x64xf32, #tpu.memory_space<vmem_shared>>
        %dma_wait3A_23 = arith.constant 0 : i32
        %dma_wait3A_24 = tpu.memref_slice %arg3[%mul3A_0, %dma_wait3A_23] : memref<10240x64xf32, #tpu.memory_space<hbm>> -> memref<640x64xf32, #tpu.memory_space<hbm>>
        tpu.wait_dma2 semaphore(%run_scoped3A : memref<!tpu.dma_semaphore, #tpu.memory_space<semaphore_mem>>) src(%dma_wait3A_24 : memref<640x64xf32, #tpu.memory_space<hbm>>) dst(%dma_wait3A_22 : memref<640x64xf32, #tpu.memory_space<vmem_shared>>)
        tpu.yield
      }) : () -> ()
    } else {
    }
    %eq3A_3 = arith.constant 1 : i32
    %eq3A_4 = arith.cmpi eq, %arg0, %eq3A_3 : i32
    %convert_element_type3A_5 = arith.extui %eq3A_4 : i1 to i32
    %cond3A_6 = arith.constant 0 : i32
    %cond3A_7 = arith.cmpi ne, %convert_element_type3A_5, %cond3A_6 : i32
    scf.if %cond3A_7 {
      %scan3A = arith.constant 0 : i32
      %scan3A_19 = arith.constant 0 : i32
      %scan3A_20 = arith.constant 128 : i32
      %scan3A_21 = arith.addi %scan3A_19, %scan3A_20 : i32
      %scan3A_22 = arith.constant 1 : i32
      scf.for %scan3A_33 = %scan3A_19 to %scan3A_21 step %scan3A_22  : i32 {
        %broadcast_in_dim3A = arith.constant 0.000000e+00 : f32
        %broadcast_in_dim3A_34 = vector.broadcast %broadcast_in_dim3A : f32 to vector<16xf32>
        %swap3A = arith.index_cast %scan3A_33 : i32 to index
        %swap3A_35 = arith.constant 0 : index
        %swap3A_36 = tpu.vector_load %arg7[%swap3A, %swap3A_35] {strides = array<i32>} : memref<128x64xf32, #tpu.memory_space<vmem>>, vector<1x16xf32>,
        %swap3A_37 = vector.shape_cast %swap3A_36 : vector<1x16xf32> to vector<16xf32>
        %swap3A_38 = vector.shape_cast %broadcast_in_dim3A_34 : vector<16xf32> to vector<1x16xf32>
        tpu.vector_store %arg7[%swap3A, %swap3A_35], %swap3A_38 {strides = array<i32>} : memref<128x64xf32, #tpu.memory_space<vmem>>, vector<1x16xf32>,
        %broadcast_in_dim3A_39 = arith.constant 0.000000e+00 : f32
        %broadcast_in_dim3A_40 = vector.broadcast %broadcast_in_dim3A_39 : f32 to vector<16xf32>
        %swap3A_41 = arith.index_cast %scan3A_33 : i32 to index
        %swap3A_42 = arith.constant 16 : index
        %swap3A_43 = tpu.vector_load %arg7[%swap3A_41, %swap3A_42] {strides = array<i32>} : memref<128x64xf32, #tpu.memory_space<vmem>>, vector<1x16xf32>,
        %swap3A_44 = vector.shape_cast %swap3A_43 : vector<1x16xf32> to vector<16xf32>
        %swap3A_45 = vector.shape_cast %broadcast_in_dim3A_40 : vector<16xf32> to vector<1x16xf32>
        tpu.vector_store %arg7[%swap3A_41, %swap3A_42], %swap3A_45 {strides = array<i32>} : memref<128x64xf32, #tpu.memory_space<vmem>>, vector<1x16xf32>,
        %broadcast_in_dim3A_46 = arith.constant 0.000000e+00 : f32
        %broadcast_in_dim3A_47 = vector.broadcast %broadcast_in_dim3A_46 : f32 to vector<16xf32>
        %swap3A_48 = arith.index_cast %scan3A_33 : i32 to index
        %swap3A_49 = arith.constant 32 : index
        %swap3A_50 = tpu.vector_load %arg7[%swap3A_48, %swap3A_49] {strides = array<i32>} : memref<128x64xf32, #tpu.memory_space<vmem>>, vector<1x16xf32>,
        %swap3A_51 = vector.shape_cast %swap3A_50 : vector<1x16xf32> to vector<16xf32>
        %swap3A_52 = vector.shape_cast %broadcast_in_dim3A_47 : vector<16xf32> to vector<1x16xf32>
        tpu.vector_store %arg7[%swap3A_48, %swap3A_49], %swap3A_52 {strides = array<i32>} : memref<128x64xf32, #tpu.memory_space<vmem>>, vector<1x16xf32>,
        %broadcast_in_dim3A_53 = arith.constant 0.000000e+00 : f32
        %broadcast_in_dim3A_54 = vector.broadcast %broadcast_in_dim3A_53 : f32 to vector<16xf32>
        %swap3A_55 = arith.index_cast %scan3A_33 : i32 to index
        %swap3A_56 = arith.constant 48 : index
        %swap3A_57 = tpu.vector_load %arg7[%swap3A_55, %swap3A_56] {strides = array<i32>} : memref<128x64xf32, #tpu.memory_space<vmem>>, vector<1x16xf32>,
        %swap3A_58 = vector.shape_cast %swap3A_57 : vector<1x16xf32> to vector<16xf32>
        %swap3A_59 = vector.shape_cast %broadcast_in_dim3A_54 : vector<16xf32> to vector<1x16xf32>
        tpu.vector_store %arg7[%swap3A_55, %swap3A_56], %swap3A_59 {strides = array<i32>} : memref<128x64xf32, #tpu.memory_space<vmem>>, vector<1x16xf32>,
      }
      %scan3A_23 = arith.constant 128 : i32
      %add3A = arith.constant 0 : i32
      %add3A_24 = arith.addi %mul3A_0, %add3A : i32
      "tpu.region"() ({
        %run_scoped3A = tpu.sem_alloc : memref<!tpu.dma_semaphore, #tpu.memory_space<semaphore_mem>>
        %dma_start3A = arith.constant 0 : i32
        %dma_start3A_33 = tpu.memref_slice %arg11[%add3A_24, %dma_start3A] : memref<10240x64xf32, #tpu.memory_space<vmem_shared>> -> memref<128x64xf32, #tpu.memory_space<vmem_shared>>
        %dma_start3A_34 = arith.constant 0 : i32
        %dma_start3A_35 = tpu.memref_slice %arg11[%add3A_24, %dma_start3A_34] : memref<10240x64xf32, #tpu.memory_space<vmem_shared>> -> memref<128x64xf32, #tpu.memory_space<vmem_shared>>
        tpu.enqueue_dma source(%arg7 : memref<128x64xf32, #tpu.memory_space<vmem>>) target(%dma_start3A_35 : memref<128x64xf32, #tpu.memory_space<vmem_shared>>) target_semaphore(%run_scoped3A : memref<!tpu.dma_semaphore, #tpu.memory_space<semaphore_mem>>)
        %dma_wait3A = arith.constant 0 : i32
        %dma_wait3A_36 = tpu.memref_slice %arg11[%add3A_24, %dma_wait3A] : memref<10240x64xf32, #tpu.memory_space<vmem_shared>> -> memref<128x64xf32, #tpu.memory_space<vmem_shared>>
        %dma_wait3A_37 = arith.constant 0 : i32
        %dma_wait3A_38 = tpu.memref_slice %arg11[%add3A_24, %dma_wait3A_37] : memref<10240x64xf32, #tpu.memory_space<vmem_shared>> -> memref<128x64xf32, #tpu.memory_space<vmem_shared>>
        tpu.wait_dma2 semaphore(%run_scoped3A : memref<!tpu.dma_semaphore, #tpu.memory_space<semaphore_mem>>) src(%arg7 : memref<128x64xf32, #tpu.memory_space<vmem>>) dst(%dma_wait3A_38 : memref<128x64xf32, #tpu.memory_space<vmem_shared>>)
        tpu.yield
      }) : () -> ()
      %add3A_25 = arith.constant 128 : i32
      %add3A_26 = arith.addi %mul3A_0, %add3A_25 : i32
      "tpu.region"() ({
        %run_scoped3A = tpu.sem_alloc : memref<!tpu.dma_semaphore, #tpu.memory_space<semaphore_mem>>
        %dma_start3A = arith.constant 0 : i32
        %dma_start3A_33 = tpu.memref_slice %arg11[%add3A_26, %dma_start3A] : memref<10240x64xf32, #tpu.memory_space<vmem_shared>> -> memref<128x64xf32, #tpu.memory_space<vmem_shared>>
        %dma_start3A_34 = arith.constant 0 : i32
        %dma_start3A_35 = tpu.memref_slice %arg11[%add3A_26, %dma_start3A_34] : memref<10240x64xf32, #tpu.memory_space<vmem_shared>> -> memref<128x64xf32, #tpu.memory_space<vmem_shared>>
        tpu.enqueue_dma source(%arg7 : memref<128x64xf32, #tpu.memory_space<vmem>>) target(%dma_start3A_35 : memref<128x64xf32, #tpu.memory_space<vmem_shared>>) target_semaphore(%run_scoped3A : memref<!tpu.dma_semaphore, #tpu.memory_space<semaphore_mem>>)
        %dma_wait3A = arith.constant 0 : i32
        %dma_wait3A_36 = tpu.memref_slice %arg11[%add3A_26, %dma_wait3A] : memref<10240x64xf32, #tpu.memory_space<vmem_shared>> -> memref<128x64xf32, #tpu.memory_space<vmem_shared>>
        %dma_wait3A_37 = arith.constant 0 : i32
        %dma_wait3A_38 = tpu.memref_slice %arg11[%add3A_26, %dma_wait3A_37] : memref<10240x64xf32, #tpu.memory_space<vmem_shared>> -> memref<128x64xf32, #tpu.memory_space<vmem_shared>>
        tpu.wait_dma2 semaphore(%run_scoped3A : memref<!tpu.dma_semaphore, #tpu.memory_space<semaphore_mem>>) src(%arg7 : memref<128x64xf32, #tpu.memory_space<vmem>>) dst(%dma_wait3A_38 : memref<128x64xf32, #tpu.memory_space<vmem_shared>>)
        tpu.yield
      }) : () -> ()
      %add3A_27 = arith.constant 256 : i32
      %add3A_28 = arith.addi %mul3A_0, %add3A_27 : i32
      "tpu.region"() ({
        %run_scoped3A = tpu.sem_alloc : memref<!tpu.dma_semaphore, #tpu.memory_space<semaphore_mem>>
        %dma_start3A = arith.constant 0 : i32
        %dma_start3A_33 = tpu.memref_slice %arg11[%add3A_28, %dma_start3A] : memref<10240x64xf32, #tpu.memory_space<vmem_shared>> -> memref<128x64xf32, #tpu.memory_space<vmem_shared>>
        %dma_start3A_34 = arith.constant 0 : i32
        %dma_start3A_35 = tpu.memref_slice %arg11[%add3A_28, %dma_start3A_34] : memref<10240x64xf32, #tpu.memory_space<vmem_shared>> -> memref<128x64xf32, #tpu.memory_space<vmem_shared>>
        tpu.enqueue_dma source(%arg7 : memref<128x64xf32, #tpu.memory_space<vmem>>) target(%dma_start3A_35 : memref<128x64xf32, #tpu.memory_space<vmem_shared>>) target_semaphore(%run_scoped3A : memref<!tpu.dma_semaphore, #tpu.memory_space<semaphore_mem>>)
        %dma_wait3A = arith.constant 0 : i32
        %dma_wait3A_36 = tpu.memref_slice %arg11[%add3A_28, %dma_wait3A] : memref<10240x64xf32, #tpu.memory_space<vmem_shared>> -> memref<128x64xf32, #tpu.memory_space<vmem_shared>>
        %dma_wait3A_37 = arith.constant 0 : i32
        %dma_wait3A_38 = tpu.memref_slice %arg11[%add3A_28, %dma_wait3A_37] : memref<10240x64xf32, #tpu.memory_space<vmem_shared>> -> memref<128x64xf32, #tpu.memory_space<vmem_shared>>
        tpu.wait_dma2 semaphore(%run_scoped3A : memref<!tpu.dma_semaphore, #tpu.memory_space<semaphore_mem>>) src(%arg7 : memref<128x64xf32, #tpu.memory_space<vmem>>) dst(%dma_wait3A_38 : memref<128x64xf32, #tpu.memory_space<vmem_shared>>)
        tpu.yield
      }) : () -> ()
      %add3A_29 = arith.constant 384 : i32
      %add3A_30 = arith.addi %mul3A_0, %add3A_29 : i32
      "tpu.region"() ({
        %run_scoped3A = tpu.sem_alloc : memref<!tpu.dma_semaphore, #tpu.memory_space<semaphore_mem>>
        %dma_start3A = arith.constant 0 : i32
        %dma_start3A_33 = tpu.memref_slice %arg11[%add3A_30, %dma_start3A] : memref<10240x64xf32, #tpu.memory_space<vmem_shared>> -> memref<128x64xf32, #tpu.memory_space<vmem_shared>>
        %dma_start3A_34 = arith.constant 0 : i32
        %dma_start3A_35 = tpu.memref_slice %arg11[%add3A_30, %dma_start3A_34] : memref<10240x64xf32, #tpu.memory_space<vmem_shared>> -> memref<128x64xf32, #tpu.memory_space<vmem_shared>>
        tpu.enqueue_dma source(%arg7 : memref<128x64xf32, #tpu.memory_space<vmem>>) target(%dma_start3A_35 : memref<128x64xf32, #tpu.memory_space<vmem_shared>>) target_semaphore(%run_scoped3A : memref<!tpu.dma_semaphore, #tpu.memory_space<semaphore_mem>>)
        %dma_wait3A = arith.constant 0 : i32
        %dma_wait3A_36 = tpu.memref_slice %arg11[%add3A_30, %dma_wait3A] : memref<10240x64xf32, #tpu.memory_space<vmem_shared>> -> memref<128x64xf32, #tpu.memory_space<vmem_shared>>
        %dma_wait3A_37 = arith.constant 0 : i32
        %dma_wait3A_38 = tpu.memref_slice %arg11[%add3A_30, %dma_wait3A_37] : memref<10240x64xf32, #tpu.memory_space<vmem_shared>> -> memref<128x64xf32, #tpu.memory_space<vmem_shared>>
        tpu.wait_dma2 semaphore(%run_scoped3A : memref<!tpu.dma_semaphore, #tpu.memory_space<semaphore_mem>>) src(%arg7 : memref<128x64xf32, #tpu.memory_space<vmem>>) dst(%dma_wait3A_38 : memref<128x64xf32, #tpu.memory_space<vmem_shared>>)
        tpu.yield
      }) : () -> ()
      %add3A_31 = arith.constant 512 : i32
      %add3A_32 = arith.addi %mul3A_0, %add3A_31 : i32
      "tpu.region"() ({
        %run_scoped3A = tpu.sem_alloc : memref<!tpu.dma_semaphore, #tpu.memory_space<semaphore_mem>>
        %dma_start3A = arith.constant 0 : i32
        %dma_start3A_33 = tpu.memref_slice %arg11[%add3A_32, %dma_start3A] : memref<10240x64xf32, #tpu.memory_space<vmem_shared>> -> memref<128x64xf32, #tpu.memory_space<vmem_shared>>
        %dma_start3A_34 = arith.constant 0 : i32
        %dma_start3A_35 = tpu.memref_slice %arg11[%add3A_32, %dma_start3A_34] : memref<10240x64xf32, #tpu.memory_space<vmem_shared>> -> memref<128x64xf32, #tpu.memory_space<vmem_shared>>
        tpu.enqueue_dma source(%arg7 : memref<128x64xf32, #tpu.memory_space<vmem>>) target(%dma_start3A_35 : memref<128x64xf32, #tpu.memory_space<vmem_shared>>) target_semaphore(%run_scoped3A : memref<!tpu.dma_semaphore, #tpu.memory_space<semaphore_mem>>)
        %dma_wait3A = arith.constant 0 : i32
        %dma_wait3A_36 = tpu.memref_slice %arg11[%add3A_32, %dma_wait3A] : memref<10240x64xf32, #tpu.memory_space<vmem_shared>> -> memref<128x64xf32, #tpu.memory_space<vmem_shared>>
        %dma_wait3A_37 = arith.constant 0 : i32
        %dma_wait3A_38 = tpu.memref_slice %arg11[%add3A_32, %dma_wait3A_37] : memref<10240x64xf32, #tpu.memory_space<vmem_shared>> -> memref<128x64xf32, #tpu.memory_space<vmem_shared>>
        tpu.wait_dma2 semaphore(%run_scoped3A : memref<!tpu.dma_semaphore, #tpu.memory_space<semaphore_mem>>) src(%arg7 : memref<128x64xf32, #tpu.memory_space<vmem>>) dst(%dma_wait3A_38 : memref<128x64xf32, #tpu.memory_space<vmem_shared>>)
        tpu.yield
      }) : () -> ()
    } else {
    }
    %barrier3A = arith.constant 0 : index
    tpu.barrier barrier_id(%barrier3A)
    %eq3A_8 = arith.constant 0 : i32
    %eq3A_9 = arith.cmpi eq, %arg0, %eq3A_8 : i32
    %convert_element_type3A_10 = arith.extui %eq3A_9 : i1 to i32
    %cond3A_11 = arith.constant 0 : i32
    %cond3A_12 = arith.cmpi ne, %convert_element_type3A_10, %cond3A_11 : i32
    scf.if %cond3A_12 {
      %mul3A_19 = arith.constant 83 : i32
      %mul3A_20 = arith.muli %arg1, %mul3A_19 : i32
      %run_scoped3A = arith.constant 0 : i32
      "tpu.region"() ({
        %run_scoped3A_165 = tpu.sem_alloc : memref<!tpu.dma_semaphore, #tpu.memory_space<semaphore_mem>>
        %dma_start3A_166 = arith.constant 0 : i32
        %dma_start3A_167 = arith.constant 0 : i32
        %dma_start3A_168 = tpu.memref_slice %arg5[%dma_start3A_166, %dma_start3A_167] : memref<83x128xi32, #tpu.memory_space<vmem>> -> memref<83x128xi32, #tpu.memory_space<vmem>>
        %dma_start3A_169 = arith.constant 0 : i32
        %dma_start3A_170 = tpu.memref_slice %arg2[%run_scoped3A, %mul3A_20, %dma_start3A_169] : memref<2x2560x128xi32, #tpu.memory_space<hbm>> -> memref<1x83x128xi32, #tpu.memory_space<hbm>>
        %dma_start3A_171 = tpu.memref_squeeze %dma_start3A_170 : memref<1x83x128xi32, #tpu.memory_space<hbm>> -> memref<83x128xi32, #tpu.memory_space<hbm>>
        %dma_start3A_172 = arith.constant 0 : i32
        %dma_start3A_173 = arith.constant 0 : i32
        %dma_start3A_174 = tpu.memref_slice %arg5[%dma_start3A_172, %dma_start3A_173] : memref<83x128xi32, #tpu.memory_space<vmem>> -> memref<83x128xi32, #tpu.memory_space<vmem>>
        %dma_start3A_175 = arith.constant 0 : i32
        %dma_start3A_176 = tpu.memref_slice %arg2[%run_scoped3A, %mul3A_20, %dma_start3A_175] : memref<2x2560x128xi32, #tpu.memory_space<hbm>> -> memref<1x83x128xi32, #tpu.memory_space<hbm>>
        %dma_start3A_177 = tpu.memref_squeeze %dma_start3A_176 : memref<1x83x128xi32, #tpu.memory_space<hbm>> -> memref<83x128xi32, #tpu.memory_space<hbm>>
        tpu.enqueue_dma source(%dma_start3A_177 : memref<83x128xi32, #tpu.memory_space<hbm>>) target(%dma_start3A_174 : memref<83x128xi32, #tpu.memory_space<vmem>>) target_semaphore(%run_scoped3A_165 : memref<!tpu.dma_semaphore, #tpu.memory_space<semaphore_mem>>)
        %dma_wait3A_178 = arith.constant 0 : i32
        %dma_wait3A_179 = arith.constant 0 : i32
        %dma_wait3A_180 = tpu.memref_slice %arg5[%dma_wait3A_178, %dma_wait3A_179] : memref<83x128xi32, #tpu.memory_space<vmem>> -> memref<83x128xi32, #tpu.memory_space<vmem>>
        %dma_wait3A_181 = arith.constant 0 : i32
        %dma_wait3A_182 = tpu.memref_slice %arg2[%run_scoped3A, %mul3A_20, %dma_wait3A_181] : memref<2x2560x128xi32, #tpu.memory_space<hbm>> -> memref<1x83x128xi32, #tpu.memory_space<hbm>>
        %dma_wait3A_183 = tpu.memref_squeeze %dma_wait3A_182 : memref<1x83x128xi32, #tpu.memory_space<hbm>> -> memref<83x128xi32, #tpu.memory_space<hbm>>
        %dma_wait3A_184 = arith.constant 0 : i32
        %dma_wait3A_185 = arith.constant 0 : i32
        %dma_wait3A_186 = tpu.memref_slice %arg5[%dma_wait3A_184, %dma_wait3A_185] : memref<83x128xi32, #tpu.memory_space<vmem>> -> memref<83x128xi32, #tpu.memory_space<vmem>>
        %dma_wait3A_187 = arith.constant 0 : i32
        %dma_wait3A_188 = tpu.memref_slice %arg2[%run_scoped3A, %mul3A_20, %dma_wait3A_187] : memref<2x2560x128xi32, #tpu.memory_space<hbm>> -> memref<1x83x128xi32, #tpu.memory_space<hbm>>
        %dma_wait3A_189 = tpu.memref_squeeze %dma_wait3A_188 : memref<1x83x128xi32, #tpu.memory_space<hbm>> -> memref<83x128xi32, #tpu.memory_space<hbm>>
        tpu.wait_dma2 semaphore(%run_scoped3A_165 : memref<!tpu.dma_semaphore, #tpu.memory_space<semaphore_mem>>) src(%dma_wait3A_189 : memref<83x128xi32, #tpu.memory_space<hbm>>) dst(%dma_wait3A_186 : memref<83x128xi32, #tpu.memory_space<vmem>>)
        tpu.yield
      }) : () -> ()
      %run_scoped3A_21 = arith.constant 1 : i32
      "tpu.region"() ({
        %run_scoped3A_165 = tpu.sem_alloc : memref<!tpu.dma_semaphore, #tpu.memory_space<semaphore_mem>>
        %dma_start3A_166 = arith.constant 0 : i32
        %dma_start3A_167 = arith.constant 0 : i32
        %dma_start3A_168 = tpu.memref_slice %arg6[%dma_start3A_166, %dma_start3A_167] : memref<83x128xi32, #tpu.memory_space<vmem>> -> memref<83x128xi32, #tpu.memory_space<vmem>>
        %dma_start3A_169 = arith.constant 0 : i32
        %dma_start3A_170 = tpu.memref_slice %arg2[%run_scoped3A_21, %mul3A_20, %dma_start3A_169] : memref<2x2560x128xi32, #tpu.memory_space<hbm>> -> memref<1x83x128xi32, #tpu.memory_space<hbm>>
        %dma_start3A_171 = tpu.memref_squeeze %dma_start3A_170 : memref<1x83x128xi32, #tpu.memory_space<hbm>> -> memref<83x128xi32, #tpu.memory_space<hbm>>
        %dma_start3A_172 = arith.constant 0 : i32
        %dma_start3A_173 = arith.constant 0 : i32
        %dma_start3A_174 = tpu.memref_slice %arg6[%dma_start3A_172, %dma_start3A_173] : memref<83x128xi32, #tpu.memory_space<vmem>> -> memref<83x128xi32, #tpu.memory_space<vmem>>
        %dma_start3A_175 = arith.constant 0 : i32
        %dma_start3A_176 = tpu.memref_slice %arg2[%run_scoped3A_21, %mul3A_20, %dma_start3A_175] : memref<2x2560x128xi32, #tpu.memory_space<hbm>> -> memref<1x83x128xi32, #tpu.memory_space<hbm>>
        %dma_start3A_177 = tpu.memref_squeeze %dma_start3A_176 : memref<1x83x128xi32, #tpu.memory_space<hbm>> -> memref<83x128xi32, #tpu.memory_space<hbm>>
        tpu.enqueue_dma source(%dma_start3A_177 : memref<83x128xi32, #tpu.memory_space<hbm>>) target(%dma_start3A_174 : memref<83x128xi32, #tpu.memory_space<vmem>>) target_semaphore(%run_scoped3A_165 : memref<!tpu.dma_semaphore, #tpu.memory_space<semaphore_mem>>)
        %dma_wait3A_178 = arith.constant 0 : i32
        %dma_wait3A_179 = arith.constant 0 : i32
        %dma_wait3A_180 = tpu.memref_slice %arg6[%dma_wait3A_178, %dma_wait3A_179] : memref<83x128xi32, #tpu.memory_space<vmem>> -> memref<83x128xi32, #tpu.memory_space<vmem>>
        %dma_wait3A_181 = arith.constant 0 : i32
        %dma_wait3A_182 = tpu.memref_slice %arg2[%run_scoped3A_21, %mul3A_20, %dma_wait3A_181] : memref<2x2560x128xi32, #tpu.memory_space<hbm>> -> memref<1x83x128xi32, #tpu.memory_space<hbm>>
        %dma_wait3A_183 = tpu.memref_squeeze %dma_wait3A_182 : memref<1x83x128xi32, #tpu.memory_space<hbm>> -> memref<83x128xi32, #tpu.memory_space<hbm>>
        %dma_wait3A_184 = arith.constant 0 : i32
        %dma_wait3A_185 = arith.constant 0 : i32
        %dma_wait3A_186 = tpu.memref_slice %arg6[%dma_wait3A_184, %dma_wait3A_185] : memref<83x128xi32, #tpu.memory_space<vmem>> -> memref<83x128xi32, #tpu.memory_space<vmem>>
        %dma_wait3A_187 = arith.constant 0 : i32
        %dma_wait3A_188 = tpu.memref_slice %arg2[%run_scoped3A_21, %mul3A_20, %dma_wait3A_187] : memref<2x2560x128xi32, #tpu.memory_space<hbm>> -> memref<1x83x128xi32, #tpu.memory_space<hbm>>
        %dma_wait3A_189 = tpu.memref_squeeze %dma_wait3A_188 : memref<1x83x128xi32, #tpu.memory_space<hbm>> -> memref<83x128xi32, #tpu.memory_space<hbm>>
        tpu.wait_dma2 semaphore(%run_scoped3A_165 : memref<!tpu.dma_semaphore, #tpu.memory_space<semaphore_mem>>) src(%dma_wait3A_189 : memref<83x128xi32, #tpu.memory_space<hbm>>) dst(%dma_wait3A_186 : memref<83x128xi32, #tpu.memory_space<vmem>>)
        tpu.yield
      }) : () -> ()
      %dma_start3A = arith.constant 0 : i32
      %dma_start3A_22 = arith.constant 0 : i32
      %dma_start3A_23 = tpu.memref_slice %arg5[%dma_start3A, %dma_start3A_22] : memref<83x128xi32, #tpu.memory_space<vmem>> -> memref<1x128xi32, #tpu.memory_space<vmem>>
      %dma_start3A_24 = tpu.memref_squeeze %dma_start3A_23 : memref<1x128xi32, #tpu.memory_space<vmem>> -> memref<128xi32, #tpu.memory_space<vmem>>
      %dma_start3A_25 = arith.constant 0 : i32
      %dma_start3A_26 = arith.constant 0 : i32
      %dma_start3A_27 = tpu.memref_slice %arg10[%dma_start3A_25, %dma_start3A_26] : memref<10240x64xf32, #tpu.memory_space<vmem_shared>> -> memref<10240x64xf32, #tpu.memory_space<vmem_shared>>
      tpu.enqueue_indirect_dma source(%dma_start3A_27 : memref<10240x64xf32, #tpu.memory_space<vmem_shared>>) target(%arg7 : memref<128x64xf32, #tpu.memory_space<vmem>>) offsets(%dma_start3A_24 : memref<128xi32, #tpu.memory_space<vmem>>) semaphore(%arg12 : memref<!tpu.dma_semaphore, #tpu.memory_space<semaphore_mem>>)
      %dma_start3A_28 = arith.constant 1 : i32
      %dma_start3A_29 = arith.constant 0 : i32
      %dma_start3A_30 = tpu.memref_slice %arg5[%dma_start3A_28, %dma_start3A_29] : memref<83x128xi32, #tpu.memory_space<vmem>> -> memref<1x128xi32, #tpu.memory_space<vmem>>
      %dma_start3A_31 = tpu.memref_squeeze %dma_start3A_30 : memref<1x128xi32, #tpu.memory_space<vmem>> -> memref<128xi32, #tpu.memory_space<vmem>>
      %dma_start3A_32 = arith.constant 0 : i32
      %dma_start3A_33 = arith.constant 0 : i32
      %dma_start3A_34 = tpu.memref_slice %arg10[%dma_start3A_32, %dma_start3A_33] : memref<10240x64xf32, #tpu.memory_space<vmem_shared>> -> memref<10240x64xf32, #tpu.memory_space<vmem_shared>>
      tpu.enqueue_indirect_dma source(%dma_start3A_34 : memref<10240x64xf32, #tpu.memory_space<vmem_shared>>) target(%arg8 : memref<128x64xf32, #tpu.memory_space<vmem>>) offsets(%dma_start3A_31 : memref<128xi32, #tpu.memory_space<vmem>>) semaphore(%arg13 : memref<!tpu.dma_semaphore, #tpu.memory_space<semaphore_mem>>)
      %dma_wait3A = arith.constant 0 : i32
      %dma_wait3A_35 = arith.constant 0 : i32
      %dma_wait3A_36 = tpu.memref_slice %arg5[%dma_wait3A, %dma_wait3A_35] : memref<83x128xi32, #tpu.memory_space<vmem>> -> memref<1x128xi32, #tpu.memory_space<vmem>>
      %dma_wait3A_37 = tpu.memref_squeeze %dma_wait3A_36 : memref<1x128xi32, #tpu.memory_space<vmem>> -> memref<128xi32, #tpu.memory_space<vmem>>
      %dma_wait3A_38 = arith.constant 0 : i32
      %dma_wait3A_39 = arith.constant 0 : i32
      %dma_wait3A_40 = tpu.memref_slice %arg10[%dma_wait3A_38, %dma_wait3A_39] : memref<10240x64xf32, #tpu.memory_space<vmem_shared>> -> memref<10240x64xf32, #tpu.memory_space<vmem_shared>>
      tpu.wait_indirect_dma semaphore(%arg12 : memref<!tpu.dma_semaphore, #tpu.memory_space<semaphore_mem>>) src(%dma_wait3A_40 : memref<10240x64xf32, #tpu.memory_space<vmem_shared>>) dst(%arg7 : memref<128x64xf32, #tpu.memory_space<vmem>>)
      %dma_start3A_41 = arith.constant 0 : i32
      %dma_start3A_42 = arith.constant 0 : i32
      %dma_start3A_43 = tpu.memref_slice %arg6[%dma_start3A_41, %dma_start3A_42] : memref<83x128xi32, #tpu.memory_space<vmem>> -> memref<1x128xi32, #tpu.memory_space<vmem>>
      %dma_start3A_44 = tpu.memref_squeeze %dma_start3A_43 : memref<1x128xi32, #tpu.memory_space<vmem>> -> memref<128xi32, #tpu.memory_space<vmem>>
      %dma_start3A_45 = arith.constant 0 : i32
      %dma_start3A_46 = arith.constant 0 : i32
      %dma_start3A_47 = tpu.memref_slice %arg11[%dma_start3A_45, %dma_start3A_46] : memref<10240x64xf32, #tpu.memory_space<vmem_shared>> -> memref<10240x64xf32, #tpu.memory_space<vmem_shared>>
      tpu.enqueue_indirect_dma source(%arg7 : memref<128x64xf32, #tpu.memory_space<vmem>>) target(%dma_start3A_47 : memref<10240x64xf32, #tpu.memory_space<vmem_shared>>) offsets(%dma_start3A_44 : memref<128xi32, #tpu.memory_space<vmem>>) semaphore(%arg15 : memref<!tpu.dma_semaphore, #tpu.memory_space<semaphore_mem>>) {add = true}
      %dma_start3A_48 = arith.constant 2 : i32
      %dma_start3A_49 = arith.constant 0 : i32
      %dma_start3A_50 = tpu.memref_slice %arg5[%dma_start3A_48, %dma_start3A_49] : memref<83x128xi32, #tpu.memory_space<vmem>> -> memref<1x128xi32, #tpu.memory_space<vmem>>
      %dma_start3A_51 = tpu.memref_squeeze %dma_start3A_50 : memref<1x128xi32, #tpu.memory_space<vmem>> -> memref<128xi32, #tpu.memory_space<vmem>>
      %dma_start3A_52 = arith.constant 0 : i32
      %dma_start3A_53 = arith.constant 0 : i32
      %dma_start3A_54 = tpu.memref_slice %arg10[%dma_start3A_52, %dma_start3A_53] : memref<10240x64xf32, #tpu.memory_space<vmem_shared>> -> memref<10240x64xf32, #tpu.memory_space<vmem_shared>>
      tpu.enqueue_indirect_dma source(%dma_start3A_54 : memref<10240x64xf32, #tpu.memory_space<vmem_shared>>) target(%arg9 : memref<128x64xf32, #tpu.memory_space<vmem>>) offsets(%dma_start3A_51 : memref<128xi32, #tpu.memory_space<vmem>>) semaphore(%arg14 : memref<!tpu.dma_semaphore, #tpu.memory_space<semaphore_mem>>)
      %dma_wait3A_55 = arith.constant 0 : i32
      %dma_wait3A_56 = arith.constant 0 : i32
      %dma_wait3A_57 = tpu.memref_slice %arg5[%dma_wait3A_55, %dma_wait3A_56] : memref<83x128xi32, #tpu.memory_space<vmem>> -> memref<1x128xi32, #tpu.memory_space<vmem>>
      %dma_wait3A_58 = tpu.memref_squeeze %dma_wait3A_57 : memref<1x128xi32, #tpu.memory_space<vmem>> -> memref<128xi32, #tpu.memory_space<vmem>>
      %dma_wait3A_59 = arith.constant 0 : i32
      %dma_wait3A_60 = arith.constant 0 : i32
      %dma_wait3A_61 = tpu.memref_slice %arg10[%dma_wait3A_59, %dma_wait3A_60] : memref<10240x64xf32, #tpu.memory_space<vmem_shared>> -> memref<10240x64xf32, #tpu.memory_space<vmem_shared>>
      tpu.wait_indirect_dma semaphore(%arg13 : memref<!tpu.dma_semaphore, #tpu.memory_space<semaphore_mem>>) src(%dma_wait3A_61 : memref<10240x64xf32, #tpu.memory_space<vmem_shared>>) dst(%arg8 : memref<128x64xf32, #tpu.memory_space<vmem>>)
      %dma_start3A_62 = arith.constant 1 : i32
      %dma_start3A_63 = arith.constant 0 : i32
      %dma_start3A_64 = tpu.memref_slice %arg6[%dma_start3A_62, %dma_start3A_63] : memref<83x128xi32, #tpu.memory_space<vmem>> -> memref<1x128xi32, #tpu.memory_space<vmem>>
      %dma_start3A_65 = tpu.memref_squeeze %dma_start3A_64 : memref<1x128xi32, #tpu.memory_space<vmem>> -> memref<128xi32, #tpu.memory_space<vmem>>
      %dma_start3A_66 = arith.constant 0 : i32
      %dma_start3A_67 = arith.constant 0 : i32
      %dma_start3A_68 = tpu.memref_slice %arg11[%dma_start3A_66, %dma_start3A_67] : memref<10240x64xf32, #tpu.memory_space<vmem_shared>> -> memref<10240x64xf32, #tpu.memory_space<vmem_shared>>
      tpu.enqueue_indirect_dma source(%arg8 : memref<128x64xf32, #tpu.memory_space<vmem>>) target(%dma_start3A_68 : memref<10240x64xf32, #tpu.memory_space<vmem_shared>>) offsets(%dma_start3A_65 : memref<128xi32, #tpu.memory_space<vmem>>) semaphore(%arg16 : memref<!tpu.dma_semaphore, #tpu.memory_space<semaphore_mem>>) {add = true}
      %scan3A = arith.constant 0 : i32
      %scan3A_69 = arith.constant 0 : i32
      %scan3A_70 = arith.constant 26 : i32
      %scan3A_71 = arith.addi %scan3A_69, %scan3A_70 : i32
      %scan3A_72 = arith.constant 1 : i32
      scf.for %scan3A_165 = %scan3A_69 to %scan3A_71 step %scan3A_72  : i32 {
        %mul3A_166 = arith.constant 3 : i32
        %mul3A_167 = arith.muli %mul3A_166, %scan3A_165 : i32
        %add3A = arith.constant 2 : i32
        %add3A_168 = arith.addi %mul3A_167, %add3A : i32
        %add3A_169 = arith.constant 0 : i32
        %add3A_170 = arith.addi %add3A_168, %add3A_169 : i32
        %dma_wait3A_171 = arith.constant 0 : i32
        %dma_wait3A_172 = arith.constant 0 : i32
        %dma_wait3A_173 = tpu.memref_slice %arg6[%dma_wait3A_171, %dma_wait3A_172] : memref<83x128xi32, #tpu.memory_space<vmem>> -> memref<1x128xi32, #tpu.memory_space<vmem>>
        %dma_wait3A_174 = tpu.memref_squeeze %dma_wait3A_173 : memref<1x128xi32, #tpu.memory_space<vmem>> -> memref<128xi32, #tpu.memory_space<vmem>>
        %dma_wait3A_175 = arith.constant 0 : i32
        %dma_wait3A_176 = arith.constant 0 : i32
        %dma_wait3A_177 = tpu.memref_slice %arg11[%dma_wait3A_175, %dma_wait3A_176] : memref<10240x64xf32, #tpu.memory_space<vmem_shared>> -> memref<10240x64xf32, #tpu.memory_space<vmem_shared>>
        tpu.wait_indirect_dma semaphore(%arg15 : memref<!tpu.dma_semaphore, #tpu.memory_space<semaphore_mem>>) src(%arg7 : memref<128x64xf32, #tpu.memory_space<vmem>>) dst(%dma_wait3A_177 : memref<10240x64xf32, #tpu.memory_space<vmem_shared>>)
        %add3A_178 = arith.constant 1 : i32
        %add3A_179 = arith.addi %add3A_170, %add3A_178 : i32
        %dma_start3A_180 = arith.constant 0 : i32
        %dma_start3A_181 = tpu.memref_slice %arg5[%add3A_179, %dma_start3A_180] : memref<83x128xi32, #tpu.memory_space<vmem>> -> memref<1x128xi32, #tpu.memory_space<vmem>>
        %dma_start3A_182 = tpu.memref_squeeze %dma_start3A_181 : memref<1x128xi32, #tpu.memory_space<vmem>> -> memref<128xi32, #tpu.memory_space<vmem>>
        %dma_start3A_183 = arith.constant 0 : i32
        %dma_start3A_184 = arith.constant 0 : i32
        %dma_start3A_185 = tpu.memref_slice %arg10[%dma_start3A_183, %dma_start3A_184] : memref<10240x64xf32, #tpu.memory_space<vmem_shared>> -> memref<10240x64xf32, #tpu.memory_space<vmem_shared>>
        tpu.enqueue_indirect_dma source(%dma_start3A_185 : memref<10240x64xf32, #tpu.memory_space<vmem_shared>>) target(%arg7 : memref<128x64xf32, #tpu.memory_space<vmem>>) offsets(%dma_start3A_182 : memref<128xi32, #tpu.memory_space<vmem>>) semaphore(%arg12 : memref<!tpu.dma_semaphore, #tpu.memory_space<semaphore_mem>>)
        %dma_wait3A_186 = arith.constant 0 : i32
        %dma_wait3A_187 = arith.constant 0 : i32
        %dma_wait3A_188 = tpu.memref_slice %arg5[%dma_wait3A_186, %dma_wait3A_187] : memref<83x128xi32, #tpu.memory_space<vmem>> -> memref<1x128xi32, #tpu.memory_space<vmem>>
        %dma_wait3A_189 = tpu.memref_squeeze %dma_wait3A_188 : memref<1x128xi32, #tpu.memory_space<vmem>> -> memref<128xi32, #tpu.memory_space<vmem>>
        %dma_wait3A_190 = arith.constant 0 : i32
        %dma_wait3A_191 = arith.constant 0 : i32
        %dma_wait3A_192 = tpu.memref_slice %arg10[%dma_wait3A_190, %dma_wait3A_191] : memref<10240x64xf32, #tpu.memory_space<vmem_shared>> -> memref<10240x64xf32, #tpu.memory_space<vmem_shared>>
        tpu.wait_indirect_dma semaphore(%arg14 : memref<!tpu.dma_semaphore, #tpu.memory_space<semaphore_mem>>) src(%dma_wait3A_192 : memref<10240x64xf32, #tpu.memory_space<vmem_shared>>) dst(%arg9 : memref<128x64xf32, #tpu.memory_space<vmem>>)
        %dma_start3A_193 = arith.constant 0 : i32
        %dma_start3A_194 = tpu.memref_slice %arg6[%add3A_170, %dma_start3A_193] : memref<83x128xi32, #tpu.memory_space<vmem>> -> memref<1x128xi32, #tpu.memory_space<vmem>>
        %dma_start3A_195 = tpu.memref_squeeze %dma_start3A_194 : memref<1x128xi32, #tpu.memory_space<vmem>> -> memref<128xi32, #tpu.memory_space<vmem>>
        %dma_start3A_196 = arith.constant 0 : i32
        %dma_start3A_197 = arith.constant 0 : i32
        %dma_start3A_198 = tpu.memref_slice %arg11[%dma_start3A_196, %dma_start3A_197] : memref<10240x64xf32, #tpu.memory_space<vmem_shared>> -> memref<10240x64xf32, #tpu.memory_space<vmem_shared>>
        tpu.enqueue_indirect_dma source(%arg9 : memref<128x64xf32, #tpu.memory_space<vmem>>) target(%dma_start3A_198 : memref<10240x64xf32, #tpu.memory_space<vmem_shared>>) offsets(%dma_start3A_195 : memref<128xi32, #tpu.memory_space<vmem>>) semaphore(%arg17 : memref<!tpu.dma_semaphore, #tpu.memory_space<semaphore_mem>>) {add = true}
        %mul3A_199 = arith.constant 3 : i32
        %mul3A_200 = arith.muli %mul3A_199, %scan3A_165 : i32
        %add3A_201 = arith.constant 2 : i32
        %add3A_202 = arith.addi %mul3A_200, %add3A_201 : i32
        %add3A_203 = arith.constant 1 : i32
        %add3A_204 = arith.addi %add3A_202, %add3A_203 : i32
        %dma_wait3A_205 = arith.constant 0 : i32
        %dma_wait3A_206 = arith.constant 0 : i32
        %dma_wait3A_207 = tpu.memref_slice %arg6[%dma_wait3A_205, %dma_wait3A_206] : memref<83x128xi32, #tpu.memory_space<vmem>> -> memref<1x128xi32, #tpu.memory_space<vmem>>
        %dma_wait3A_208 = tpu.memref_squeeze %dma_wait3A_207 : memref<1x128xi32, #tpu.memory_space<vmem>> -> memref<128xi32, #tpu.memory_space<vmem>>
        %dma_wait3A_209 = arith.constant 0 : i32
        %dma_wait3A_210 = arith.constant 0 : i32
        %dma_wait3A_211 = tpu.memref_slice %arg11[%dma_wait3A_209, %dma_wait3A_210] : memref<10240x64xf32, #tpu.memory_space<vmem_shared>> -> memref<10240x64xf32, #tpu.memory_space<vmem_shared>>
        tpu.wait_indirect_dma semaphore(%arg16 : memref<!tpu.dma_semaphore, #tpu.memory_space<semaphore_mem>>) src(%arg8 : memref<128x64xf32, #tpu.memory_space<vmem>>) dst(%dma_wait3A_211 : memref<10240x64xf32, #tpu.memory_space<vmem_shared>>)
        %add3A_212 = arith.constant 1 : i32
        %add3A_213 = arith.addi %add3A_204, %add3A_212 : i32
        %dma_start3A_214 = arith.constant 0 : i32
        %dma_start3A_215 = tpu.memref_slice %arg5[%add3A_213, %dma_start3A_214] : memref<83x128xi32, #tpu.memory_space<vmem>> -> memref<1x128xi32, #tpu.memory_space<vmem>>
        %dma_start3A_216 = tpu.memref_squeeze %dma_start3A_215 : memref<1x128xi32, #tpu.memory_space<vmem>> -> memref<128xi32, #tpu.memory_space<vmem>>
        %dma_start3A_217 = arith.constant 0 : i32
        %dma_start3A_218 = arith.constant 0 : i32
        %dma_start3A_219 = tpu.memref_slice %arg10[%dma_start3A_217, %dma_start3A_218] : memref<10240x64xf32, #tpu.memory_space<vmem_shared>> -> memref<10240x64xf32, #tpu.memory_space<vmem_shared>>
        tpu.enqueue_indirect_dma source(%dma_start3A_219 : memref<10240x64xf32, #tpu.memory_space<vmem_shared>>) target(%arg8 : memref<128x64xf32, #tpu.memory_space<vmem>>) offsets(%dma_start3A_216 : memref<128xi32, #tpu.memory_space<vmem>>) semaphore(%arg13 : memref<!tpu.dma_semaphore, #tpu.memory_space<semaphore_mem>>)
        %dma_wait3A_220 = arith.constant 0 : i32
        %dma_wait3A_221 = arith.constant 0 : i32
        %dma_wait3A_222 = tpu.memref_slice %arg5[%dma_wait3A_220, %dma_wait3A_221] : memref<83x128xi32, #tpu.memory_space<vmem>> -> memref<1x128xi32, #tpu.memory_space<vmem>>
        %dma_wait3A_223 = tpu.memref_squeeze %dma_wait3A_222 : memref<1x128xi32, #tpu.memory_space<vmem>> -> memref<128xi32, #tpu.memory_space<vmem>>
        %dma_wait3A_224 = arith.constant 0 : i32
        %dma_wait3A_225 = arith.constant 0 : i32
        %dma_wait3A_226 = tpu.memref_slice %arg10[%dma_wait3A_224, %dma_wait3A_225] : memref<10240x64xf32, #tpu.memory_space<vmem_shared>> -> memref<10240x64xf32, #tpu.memory_space<vmem_shared>>
        tpu.wait_indirect_dma semaphore(%arg12 : memref<!tpu.dma_semaphore, #tpu.memory_space<semaphore_mem>>) src(%dma_wait3A_226 : memref<10240x64xf32, #tpu.memory_space<vmem_shared>>) dst(%arg7 : memref<128x64xf32, #tpu.memory_space<vmem>>)
        %dma_start3A_227 = arith.constant 0 : i32
        %dma_start3A_228 = tpu.memref_slice %arg6[%add3A_204, %dma_start3A_227] : memref<83x128xi32, #tpu.memory_space<vmem>> -> memref<1x128xi32, #tpu.memory_space<vmem>>
        %dma_start3A_229 = tpu.memref_squeeze %dma_start3A_228 : memref<1x128xi32, #tpu.memory_space<vmem>> -> memref<128xi32, #tpu.memory_space<vmem>>
        %dma_start3A_230 = arith.constant 0 : i32
        %dma_start3A_231 = arith.constant 0 : i32
        %dma_start3A_232 = tpu.memref_slice %arg11[%dma_start3A_230, %dma_start3A_231] : memref<10240x64xf32, #tpu.memory_space<vmem_shared>> -> memref<10240x64xf32, #tpu.memory_space<vmem_shared>>
        tpu.enqueue_indirect_dma source(%arg7 : memref<128x64xf32, #tpu.memory_space<vmem>>) target(%dma_start3A_232 : memref<10240x64xf32, #tpu.memory_space<vmem_shared>>) offsets(%dma_start3A_229 : memref<128xi32, #tpu.memory_space<vmem>>) semaphore(%arg15 : memref<!tpu.dma_semaphore, #tpu.memory_space<semaphore_mem>>) {add = true}
        %mul3A_233 = arith.constant 3 : i32
        %mul3A_234 = arith.muli %mul3A_233, %scan3A_165 : i32
        %add3A_235 = arith.constant 2 : i32
        %add3A_236 = arith.addi %mul3A_234, %add3A_235 : i32
        %add3A_237 = arith.constant 2 : i32
        %add3A_238 = arith.addi %add3A_236, %add3A_237 : i32
        %dma_wait3A_239 = arith.constant 0 : i32
        %dma_wait3A_240 = arith.constant 0 : i32
        %dma_wait3A_241 = tpu.memref_slice %arg6[%dma_wait3A_239, %dma_wait3A_240] : memref<83x128xi32, #tpu.memory_space<vmem>> -> memref<1x128xi32, #tpu.memory_space<vmem>>
        %dma_wait3A_242 = tpu.memref_squeeze %dma_wait3A_241 : memref<1x128xi32, #tpu.memory_space<vmem>> -> memref<128xi32, #tpu.memory_space<vmem>>
        %dma_wait3A_243 = arith.constant 0 : i32
        %dma_wait3A_244 = arith.constant 0 : i32
        %dma_wait3A_245 = tpu.memref_slice %arg11[%dma_wait3A_243, %dma_wait3A_244] : memref<10240x64xf32, #tpu.memory_space<vmem_shared>> -> memref<10240x64xf32, #tpu.memory_space<vmem_shared>>
        tpu.wait_indirect_dma semaphore(%arg17 : memref<!tpu.dma_semaphore, #tpu.memory_space<semaphore_mem>>) src(%arg9 : memref<128x64xf32, #tpu.memory_space<vmem>>) dst(%dma_wait3A_245 : memref<10240x64xf32, #tpu.memory_space<vmem_shared>>)
        %add3A_246 = arith.constant 1 : i32
        %add3A_247 = arith.addi %add3A_238, %add3A_246 : i32
        %dma_start3A_248 = arith.constant 0 : i32
        %dma_start3A_249 = tpu.memref_slice %arg5[%add3A_247, %dma_start3A_248] : memref<83x128xi32, #tpu.memory_space<vmem>> -> memref<1x128xi32, #tpu.memory_space<vmem>>
        %dma_start3A_250 = tpu.memref_squeeze %dma_start3A_249 : memref<1x128xi32, #tpu.memory_space<vmem>> -> memref<128xi32, #tpu.memory_space<vmem>>
        %dma_start3A_251 = arith.constant 0 : i32
        %dma_start3A_252 = arith.constant 0 : i32
        %dma_start3A_253 = tpu.memref_slice %arg10[%dma_start3A_251, %dma_start3A_252] : memref<10240x64xf32, #tpu.memory_space<vmem_shared>> -> memref<10240x64xf32, #tpu.memory_space<vmem_shared>>
        tpu.enqueue_indirect_dma source(%dma_start3A_253 : memref<10240x64xf32, #tpu.memory_space<vmem_shared>>) target(%arg9 : memref<128x64xf32, #tpu.memory_space<vmem>>) offsets(%dma_start3A_250 : memref<128xi32, #tpu.memory_space<vmem>>) semaphore(%arg14 : memref<!tpu.dma_semaphore, #tpu.memory_space<semaphore_mem>>)
        %dma_wait3A_254 = arith.constant 0 : i32
        %dma_wait3A_255 = arith.constant 0 : i32
        %dma_wait3A_256 = tpu.memref_slice %arg5[%dma_wait3A_254, %dma_wait3A_255] : memref<83x128xi32, #tpu.memory_space<vmem>> -> memref<1x128xi32, #tpu.memory_space<vmem>>
        %dma_wait3A_257 = tpu.memref_squeeze %dma_wait3A_256 : memref<1x128xi32, #tpu.memory_space<vmem>> -> memref<128xi32, #tpu.memory_space<vmem>>
        %dma_wait3A_258 = arith.constant 0 : i32
        %dma_wait3A_259 = arith.constant 0 : i32
        %dma_wait3A_260 = tpu.memref_slice %arg10[%dma_wait3A_258, %dma_wait3A_259] : memref<10240x64xf32, #tpu.memory_space<vmem_shared>> -> memref<10240x64xf32, #tpu.memory_space<vmem_shared>>
        tpu.wait_indirect_dma semaphore(%arg13 : memref<!tpu.dma_semaphore, #tpu.memory_space<semaphore_mem>>) src(%dma_wait3A_260 : memref<10240x64xf32, #tpu.memory_space<vmem_shared>>) dst(%arg8 : memref<128x64xf32, #tpu.memory_space<vmem>>)
        %dma_start3A_261 = arith.constant 0 : i32
        %dma_start3A_262 = tpu.memref_slice %arg6[%add3A_238, %dma_start3A_261] : memref<83x128xi32, #tpu.memory_space<vmem>> -> memref<1x128xi32, #tpu.memory_space<vmem>>
        %dma_start3A_263 = tpu.memref_squeeze %dma_start3A_262 : memref<1x128xi32, #tpu.memory_space<vmem>> -> memref<128xi32, #tpu.memory_space<vmem>>
        %dma_start3A_264 = arith.constant 0 : i32
        %dma_start3A_265 = arith.constant 0 : i32
        %dma_start3A_266 = tpu.memref_slice %arg11[%dma_start3A_264, %dma_start3A_265] : memref<10240x64xf32, #tpu.memory_space<vmem_shared>> -> memref<10240x64xf32, #tpu.memory_space<vmem_shared>>
        tpu.enqueue_indirect_dma source(%arg8 : memref<128x64xf32, #tpu.memory_space<vmem>>) target(%dma_start3A_266 : memref<10240x64xf32, #tpu.memory_space<vmem_shared>>) offsets(%dma_start3A_263 : memref<128xi32, #tpu.memory_space<vmem>>) semaphore(%arg16 : memref<!tpu.dma_semaphore, #tpu.memory_space<semaphore_mem>>) {add = true}
      }
      %scan3A_73 = arith.constant 26 : i32
      %dma_wait3A_74 = arith.constant 0 : i32
      %dma_wait3A_75 = arith.constant 0 : i32
      %dma_wait3A_76 = tpu.memref_slice %arg6[%dma_wait3A_74, %dma_wait3A_75] : memref<83x128xi32, #tpu.memory_space<vmem>> -> memref<1x128xi32, #tpu.memory_space<vmem>>
      %dma_wait3A_77 = tpu.memref_squeeze %dma_wait3A_76 : memref<1x128xi32, #tpu.memory_space<vmem>> -> memref<128xi32, #tpu.memory_space<vmem>>
      %dma_wait3A_78 = arith.constant 0 : i32
      %dma_wait3A_79 = arith.constant 0 : i32
      %dma_wait3A_80 = tpu.memref_slice %arg11[%dma_wait3A_78, %dma_wait3A_79] : memref<10240x64xf32, #tpu.memory_space<vmem_shared>> -> memref<10240x64xf32, #tpu.memory_space<vmem_shared>>
      tpu.wait_indirect_dma semaphore(%arg15 : memref<!tpu.dma_semaphore, #tpu.memory_space<semaphore_mem>>) src(%arg7 : memref<128x64xf32, #tpu.memory_space<vmem>>) dst(%dma_wait3A_80 : memref<10240x64xf32, #tpu.memory_space<vmem_shared>>)
      %dma_start3A_81 = arith.constant 81 : i32
      %dma_start3A_82 = arith.constant 0 : i32
      %dma_start3A_83 = tpu.memref_slice %arg5[%dma_start3A_81, %dma_start3A_82] : memref<83x128xi32, #tpu.memory_space<vmem>> -> memref<1x128xi32, #tpu.memory_space<vmem>>
      %dma_start3A_84 = tpu.memref_squeeze %dma_start3A_83 : memref<1x128xi32, #tpu.memory_space<vmem>> -> memref<128xi32, #tpu.memory_space<vmem>>
      %dma_start3A_85 = arith.constant 0 : i32
      %dma_start3A_86 = arith.constant 0 : i32
      %dma_start3A_87 = tpu.memref_slice %arg10[%dma_start3A_85, %dma_start3A_86] : memref<10240x64xf32, #tpu.memory_space<vmem_shared>> -> memref<10240x64xf32, #tpu.memory_space<vmem_shared>>
      tpu.enqueue_indirect_dma source(%dma_start3A_87 : memref<10240x64xf32, #tpu.memory_space<vmem_shared>>) target(%arg7 : memref<128x64xf32, #tpu.memory_space<vmem>>) offsets(%dma_start3A_84 : memref<128xi32, #tpu.memory_space<vmem>>) semaphore(%arg12 : memref<!tpu.dma_semaphore, #tpu.memory_space<semaphore_mem>>)
      %dma_wait3A_88 = arith.constant 0 : i32
      %dma_wait3A_89 = arith.constant 0 : i32
      %dma_wait3A_90 = tpu.memref_slice %arg5[%dma_wait3A_88, %dma_wait3A_89] : memref<83x128xi32, #tpu.memory_space<vmem>> -> memref<1x128xi32, #tpu.memory_space<vmem>>
      %dma_wait3A_91 = tpu.memref_squeeze %dma_wait3A_90 : memref<1x128xi32, #tpu.memory_space<vmem>> -> memref<128xi32, #tpu.memory_space<vmem>>
      %dma_wait3A_92 = arith.constant 0 : i32
      %dma_wait3A_93 = arith.constant 0 : i32
      %dma_wait3A_94 = tpu.memref_slice %arg10[%dma_wait3A_92, %dma_wait3A_93] : memref<10240x64xf32, #tpu.memory_space<vmem_shared>> -> memref<10240x64xf32, #tpu.memory_space<vmem_shared>>
      tpu.wait_indirect_dma semaphore(%arg14 : memref<!tpu.dma_semaphore, #tpu.memory_space<semaphore_mem>>) src(%dma_wait3A_94 : memref<10240x64xf32, #tpu.memory_space<vmem_shared>>) dst(%arg9 : memref<128x64xf32, #tpu.memory_space<vmem>>)
      %dma_start3A_95 = arith.constant 80 : i32
      %dma_start3A_96 = arith.constant 0 : i32
      %dma_start3A_97 = tpu.memref_slice %arg6[%dma_start3A_95, %dma_start3A_96] : memref<83x128xi32, #tpu.memory_space<vmem>> -> memref<1x128xi32, #tpu.memory_space<vmem>>
      %dma_start3A_98 = tpu.memref_squeeze %dma_start3A_97 : memref<1x128xi32, #tpu.memory_space<vmem>> -> memref<128xi32, #tpu.memory_space<vmem>>
      %dma_start3A_99 = arith.constant 0 : i32
      %dma_start3A_100 = arith.constant 0 : i32
      %dma_start3A_101 = tpu.memref_slice %arg11[%dma_start3A_99, %dma_start3A_100] : memref<10240x64xf32, #tpu.memory_space<vmem_shared>> -> memref<10240x64xf32, #tpu.memory_space<vmem_shared>>
      tpu.enqueue_indirect_dma source(%arg9 : memref<128x64xf32, #tpu.memory_space<vmem>>) target(%dma_start3A_101 : memref<10240x64xf32, #tpu.memory_space<vmem_shared>>) offsets(%dma_start3A_98 : memref<128xi32, #tpu.memory_space<vmem>>) semaphore(%arg17 : memref<!tpu.dma_semaphore, #tpu.memory_space<semaphore_mem>>) {add = true}
      %dma_wait3A_102 = arith.constant 0 : i32
      %dma_wait3A_103 = arith.constant 0 : i32
      %dma_wait3A_104 = tpu.memref_slice %arg6[%dma_wait3A_102, %dma_wait3A_103] : memref<83x128xi32, #tpu.memory_space<vmem>> -> memref<1x128xi32, #tpu.memory_space<vmem>>
      %dma_wait3A_105 = tpu.memref_squeeze %dma_wait3A_104 : memref<1x128xi32, #tpu.memory_space<vmem>> -> memref<128xi32, #tpu.memory_space<vmem>>
      %dma_wait3A_106 = arith.constant 0 : i32
      %dma_wait3A_107 = arith.constant 0 : i32
      %dma_wait3A_108 = tpu.memref_slice %arg11[%dma_wait3A_106, %dma_wait3A_107] : memref<10240x64xf32, #tpu.memory_space<vmem_shared>> -> memref<10240x64xf32, #tpu.memory_space<vmem_shared>>
      tpu.wait_indirect_dma semaphore(%arg16 : memref<!tpu.dma_semaphore, #tpu.memory_space<semaphore_mem>>) src(%arg8 : memref<128x64xf32, #tpu.memory_space<vmem>>) dst(%dma_wait3A_108 : memref<10240x64xf32, #tpu.memory_space<vmem_shared>>)
      %dma_start3A_109 = arith.constant 82 : i32
      %dma_start3A_110 = arith.constant 0 : i32
      %dma_start3A_111 = tpu.memref_slice %arg5[%dma_start3A_109, %dma_start3A_110] : memref<83x128xi32, #tpu.memory_space<vmem>> -> memref<1x128xi32, #tpu.memory_space<vmem>>
      %dma_start3A_112 = tpu.memref_squeeze %dma_start3A_111 : memref<1x128xi32, #tpu.memory_space<vmem>> -> memref<128xi32, #tpu.memory_space<vmem>>
      %dma_start3A_113 = arith.constant 0 : i32
      %dma_start3A_114 = arith.constant 0 : i32
      %dma_start3A_115 = tpu.memref_slice %arg10[%dma_start3A_113, %dma_start3A_114] : memref<10240x64xf32, #tpu.memory_space<vmem_shared>> -> memref<10240x64xf32, #tpu.memory_space<vmem_shared>>
      tpu.enqueue_indirect_dma source(%dma_start3A_115 : memref<10240x64xf32, #tpu.memory_space<vmem_shared>>) target(%arg8 : memref<128x64xf32, #tpu.memory_space<vmem>>) offsets(%dma_start3A_112 : memref<128xi32, #tpu.memory_space<vmem>>) semaphore(%arg13 : memref<!tpu.dma_semaphore, #tpu.memory_space<semaphore_mem>>)
      %dma_wait3A_116 = arith.constant 0 : i32
      %dma_wait3A_117 = arith.constant 0 : i32
      %dma_wait3A_118 = tpu.memref_slice %arg5[%dma_wait3A_116, %dma_wait3A_117] : memref<83x128xi32, #tpu.memory_space<vmem>> -> memref<1x128xi32, #tpu.memory_space<vmem>>
      %dma_wait3A_119 = tpu.memref_squeeze %dma_wait3A_118 : memref<1x128xi32, #tpu.memory_space<vmem>> -> memref<128xi32, #tpu.memory_space<vmem>>
      %dma_wait3A_120 = arith.constant 0 : i32
      %dma_wait3A_121 = arith.constant 0 : i32
      %dma_wait3A_122 = tpu.memref_slice %arg10[%dma_wait3A_120, %dma_wait3A_121] : memref<10240x64xf32, #tpu.memory_space<vmem_shared>> -> memref<10240x64xf32, #tpu.memory_space<vmem_shared>>
      tpu.wait_indirect_dma semaphore(%arg12 : memref<!tpu.dma_semaphore, #tpu.memory_space<semaphore_mem>>) src(%dma_wait3A_122 : memref<10240x64xf32, #tpu.memory_space<vmem_shared>>) dst(%arg7 : memref<128x64xf32, #tpu.memory_space<vmem>>)
      %dma_start3A_123 = arith.constant 81 : i32
      %dma_start3A_124 = arith.constant 0 : i32
      %dma_start3A_125 = tpu.memref_slice %arg6[%dma_start3A_123, %dma_start3A_124] : memref<83x128xi32, #tpu.memory_space<vmem>> -> memref<1x128xi32, #tpu.memory_space<vmem>>
      %dma_start3A_126 = tpu.memref_squeeze %dma_start3A_125 : memref<1x128xi32, #tpu.memory_space<vmem>> -> memref<128xi32, #tpu.memory_space<vmem>>
      %dma_start3A_127 = arith.constant 0 : i32
      %dma_start3A_128 = arith.constant 0 : i32
      %dma_start3A_129 = tpu.memref_slice %arg11[%dma_start3A_127, %dma_start3A_128] : memref<10240x64xf32, #tpu.memory_space<vmem_shared>> -> memref<10240x64xf32, #tpu.memory_space<vmem_shared>>
      tpu.enqueue_indirect_dma source(%arg7 : memref<128x64xf32, #tpu.memory_space<vmem>>) target(%dma_start3A_129 : memref<10240x64xf32, #tpu.memory_space<vmem_shared>>) offsets(%dma_start3A_126 : memref<128xi32, #tpu.memory_space<vmem>>) semaphore(%arg15 : memref<!tpu.dma_semaphore, #tpu.memory_space<semaphore_mem>>) {add = true}
      %dma_wait3A_130 = arith.constant 0 : i32
      %dma_wait3A_131 = arith.constant 0 : i32
      %dma_wait3A_132 = tpu.memref_slice %arg6[%dma_wait3A_130, %dma_wait3A_131] : memref<83x128xi32, #tpu.memory_space<vmem>> -> memref<1x128xi32, #tpu.memory_space<vmem>>
      %dma_wait3A_133 = tpu.memref_squeeze %dma_wait3A_132 : memref<1x128xi32, #tpu.memory_space<vmem>> -> memref<128xi32, #tpu.memory_space<vmem>>
      %dma_wait3A_134 = arith.constant 0 : i32
      %dma_wait3A_135 = arith.constant 0 : i32
      %dma_wait3A_136 = tpu.memref_slice %arg11[%dma_wait3A_134, %dma_wait3A_135] : memref<10240x64xf32, #tpu.memory_space<vmem_shared>> -> memref<10240x64xf32, #tpu.memory_space<vmem_shared>>
      tpu.wait_indirect_dma semaphore(%arg17 : memref<!tpu.dma_semaphore, #tpu.memory_space<semaphore_mem>>) src(%arg9 : memref<128x64xf32, #tpu.memory_space<vmem>>) dst(%dma_wait3A_136 : memref<10240x64xf32, #tpu.memory_space<vmem_shared>>)
      %dma_wait3A_137 = arith.constant 0 : i32
      %dma_wait3A_138 = arith.constant 0 : i32
      %dma_wait3A_139 = tpu.memref_slice %arg5[%dma_wait3A_137, %dma_wait3A_138] : memref<83x128xi32, #tpu.memory_space<vmem>> -> memref<1x128xi32, #tpu.memory_space<vmem>>
      %dma_wait3A_140 = tpu.memref_squeeze %dma_wait3A_139 : memref<1x128xi32, #tpu.memory_space<vmem>> -> memref<128xi32, #tpu.memory_space<vmem>>
      %dma_wait3A_141 = arith.constant 0 : i32
      %dma_wait3A_142 = arith.constant 0 : i32
      %dma_wait3A_143 = tpu.memref_slice %arg10[%dma_wait3A_141, %dma_wait3A_142] : memref<10240x64xf32, #tpu.memory_space<vmem_shared>> -> memref<10240x64xf32, #tpu.memory_space<vmem_shared>>
      tpu.wait_indirect_dma semaphore(%arg13 : memref<!tpu.dma_semaphore, #tpu.memory_space<semaphore_mem>>) src(%dma_wait3A_143 : memref<10240x64xf32, #tpu.memory_space<vmem_shared>>) dst(%arg8 : memref<128x64xf32, #tpu.memory_space<vmem>>)
      %dma_start3A_144 = arith.constant 82 : i32
      %dma_start3A_145 = arith.constant 0 : i32
      %dma_start3A_146 = tpu.memref_slice %arg6[%dma_start3A_144, %dma_start3A_145] : memref<83x128xi32, #tpu.memory_space<vmem>> -> memref<1x128xi32, #tpu.memory_space<vmem>>
      %dma_start3A_147 = tpu.memref_squeeze %dma_start3A_146 : memref<1x128xi32, #tpu.memory_space<vmem>> -> memref<128xi32, #tpu.memory_space<vmem>>
      %dma_start3A_148 = arith.constant 0 : i32
      %dma_start3A_149 = arith.constant 0 : i32
      %dma_start3A_150 = tpu.memref_slice %arg11[%dma_start3A_148, %dma_start3A_149] : memref<10240x64xf32, #tpu.memory_space<vmem_shared>> -> memref<10240x64xf32, #tpu.memory_space<vmem_shared>>
      tpu.enqueue_indirect_dma source(%arg8 : memref<128x64xf32, #tpu.memory_space<vmem>>) target(%dma_start3A_150 : memref<10240x64xf32, #tpu.memory_space<vmem_shared>>) offsets(%dma_start3A_147 : memref<128xi32, #tpu.memory_space<vmem>>) semaphore(%arg16 : memref<!tpu.dma_semaphore, #tpu.memory_space<semaphore_mem>>) {add = true}
      %dma_wait3A_151 = arith.constant 0 : i32
      %dma_wait3A_152 = arith.constant 0 : i32
      %dma_wait3A_153 = tpu.memref_slice %arg6[%dma_wait3A_151, %dma_wait3A_152] : memref<83x128xi32, #tpu.memory_space<vmem>> -> memref<1x128xi32, #tpu.memory_space<vmem>>
      %dma_wait3A_154 = tpu.memref_squeeze %dma_wait3A_153 : memref<1x128xi32, #tpu.memory_space<vmem>> -> memref<128xi32, #tpu.memory_space<vmem>>
      %dma_wait3A_155 = arith.constant 0 : i32
      %dma_wait3A_156 = arith.constant 0 : i32
      %dma_wait3A_157 = tpu.memref_slice %arg11[%dma_wait3A_155, %dma_wait3A_156] : memref<10240x64xf32, #tpu.memory_space<vmem_shared>> -> memref<10240x64xf32, #tpu.memory_space<vmem_shared>>
      tpu.wait_indirect_dma semaphore(%arg15 : memref<!tpu.dma_semaphore, #tpu.memory_space<semaphore_mem>>) src(%arg7 : memref<128x64xf32, #tpu.memory_space<vmem>>) dst(%dma_wait3A_157 : memref<10240x64xf32, #tpu.memory_space<vmem_shared>>)
      %dma_wait3A_158 = arith.constant 0 : i32
      %dma_wait3A_159 = arith.constant 0 : i32
      %dma_wait3A_160 = tpu.memref_slice %arg6[%dma_wait3A_158, %dma_wait3A_159] : memref<83x128xi32, #tpu.memory_space<vmem>> -> memref<1x128xi32, #tpu.memory_space<vmem>>
      %dma_wait3A_161 = tpu.memref_squeeze %dma_wait3A_160 : memref<1x128xi32, #tpu.memory_space<vmem>> -> memref<128xi32, #tpu.memory_space<vmem>>
      %dma_wait3A_162 = arith.constant 0 : i32
      %dma_wait3A_163 = arith.constant 0 : i32
      %dma_wait3A_164 = tpu.memref_slice %arg11[%dma_wait3A_162, %dma_wait3A_163] : memref<10240x64xf32, #tpu.memory_space<vmem_shared>> -> memref<10240x64xf32, #tpu.memory_space<vmem_shared>>
      tpu.wait_indirect_dma semaphore(%arg16 : memref<!tpu.dma_semaphore, #tpu.memory_space<semaphore_mem>>) src(%arg8 : memref<128x64xf32, #tpu.memory_space<vmem>>) dst(%dma_wait3A_164 : memref<10240x64xf32, #tpu.memory_space<vmem_shared>>)
    } else {
    }
    %eq3A_13 = arith.constant 1 : i32
    %eq3A_14 = arith.cmpi eq, %arg0, %eq3A_13 : i32
    %convert_element_type3A_15 = arith.extui %eq3A_14 : i1 to i32
    %cond3A_16 = arith.constant 0 : i32
    %cond3A_17 = arith.cmpi ne, %convert_element_type3A_15, %cond3A_16 : i32
    scf.if %cond3A_17 {
      %mul3A_19 = arith.constant 77 : i32
      %mul3A_20 = arith.muli %arg1, %mul3A_19 : i32
      %add3A = arith.constant 1328 : i32
      %add3A_21 = arith.addi %add3A, %mul3A_20 : i32
      %run_scoped3A = arith.constant 0 : i32
      "tpu.region"() ({
        %run_scoped3A_166 = tpu.sem_alloc : memref<!tpu.dma_semaphore, #tpu.memory_space<semaphore_mem>>
        %dma_start3A_167 = arith.constant 0 : i32
        %dma_start3A_168 = arith.constant 0 : i32
        %dma_start3A_169 = tpu.memref_slice %arg5[%dma_start3A_167, %dma_start3A_168] : memref<83x128xi32, #tpu.memory_space<vmem>> -> memref<77x128xi32, #tpu.memory_space<vmem>>
        %dma_start3A_170 = arith.constant 0 : i32
        %dma_start3A_171 = tpu.memref_slice %arg2[%run_scoped3A, %add3A_21, %dma_start3A_170] : memref<2x2560x128xi32, #tpu.memory_space<hbm>> -> memref<1x77x128xi32, #tpu.memory_space<hbm>>
        %dma_start3A_172 = tpu.memref_squeeze %dma_start3A_171 : memref<1x77x128xi32, #tpu.memory_space<hbm>> -> memref<77x128xi32, #tpu.memory_space<hbm>>
        %dma_start3A_173 = arith.constant 0 : i32
        %dma_start3A_174 = arith.constant 0 : i32
        %dma_start3A_175 = tpu.memref_slice %arg5[%dma_start3A_173, %dma_start3A_174] : memref<83x128xi32, #tpu.memory_space<vmem>> -> memref<77x128xi32, #tpu.memory_space<vmem>>
        %dma_start3A_176 = arith.constant 0 : i32
        %dma_start3A_177 = tpu.memref_slice %arg2[%run_scoped3A, %add3A_21, %dma_start3A_176] : memref<2x2560x128xi32, #tpu.memory_space<hbm>> -> memref<1x77x128xi32, #tpu.memory_space<hbm>>
        %dma_start3A_178 = tpu.memref_squeeze %dma_start3A_177 : memref<1x77x128xi32, #tpu.memory_space<hbm>> -> memref<77x128xi32, #tpu.memory_space<hbm>>
        tpu.enqueue_dma source(%dma_start3A_178 : memref<77x128xi32, #tpu.memory_space<hbm>>) target(%dma_start3A_175 : memref<77x128xi32, #tpu.memory_space<vmem>>) target_semaphore(%run_scoped3A_166 : memref<!tpu.dma_semaphore, #tpu.memory_space<semaphore_mem>>)
        %dma_wait3A_179 = arith.constant 0 : i32
        %dma_wait3A_180 = arith.constant 0 : i32
        %dma_wait3A_181 = tpu.memref_slice %arg5[%dma_wait3A_179, %dma_wait3A_180] : memref<83x128xi32, #tpu.memory_space<vmem>> -> memref<77x128xi32, #tpu.memory_space<vmem>>
        %dma_wait3A_182 = arith.constant 0 : i32
        %dma_wait3A_183 = tpu.memref_slice %arg2[%run_scoped3A, %add3A_21, %dma_wait3A_182] : memref<2x2560x128xi32, #tpu.memory_space<hbm>> -> memref<1x77x128xi32, #tpu.memory_space<hbm>>
        %dma_wait3A_184 = tpu.memref_squeeze %dma_wait3A_183 : memref<1x77x128xi32, #tpu.memory_space<hbm>> -> memref<77x128xi32, #tpu.memory_space<hbm>>
        %dma_wait3A_185 = arith.constant 0 : i32
        %dma_wait3A_186 = arith.constant 0 : i32
        %dma_wait3A_187 = tpu.memref_slice %arg5[%dma_wait3A_185, %dma_wait3A_186] : memref<83x128xi32, #tpu.memory_space<vmem>> -> memref<77x128xi32, #tpu.memory_space<vmem>>
        %dma_wait3A_188 = arith.constant 0 : i32
        %dma_wait3A_189 = tpu.memref_slice %arg2[%run_scoped3A, %add3A_21, %dma_wait3A_188] : memref<2x2560x128xi32, #tpu.memory_space<hbm>> -> memref<1x77x128xi32, #tpu.memory_space<hbm>>
        %dma_wait3A_190 = tpu.memref_squeeze %dma_wait3A_189 : memref<1x77x128xi32, #tpu.memory_space<hbm>> -> memref<77x128xi32, #tpu.memory_space<hbm>>
        tpu.wait_dma2 semaphore(%run_scoped3A_166 : memref<!tpu.dma_semaphore, #tpu.memory_space<semaphore_mem>>) src(%dma_wait3A_190 : memref<77x128xi32, #tpu.memory_space<hbm>>) dst(%dma_wait3A_187 : memref<77x128xi32, #tpu.memory_space<vmem>>)
        tpu.yield
      }) : () -> ()
      %run_scoped3A_22 = arith.constant 1 : i32
      "tpu.region"() ({
        %run_scoped3A_166 = tpu.sem_alloc : memref<!tpu.dma_semaphore, #tpu.memory_space<semaphore_mem>>
        %dma_start3A_167 = arith.constant 0 : i32
        %dma_start3A_168 = arith.constant 0 : i32
        %dma_start3A_169 = tpu.memref_slice %arg6[%dma_start3A_167, %dma_start3A_168] : memref<83x128xi32, #tpu.memory_space<vmem>> -> memref<77x128xi32, #tpu.memory_space<vmem>>
        %dma_start3A_170 = arith.constant 0 : i32
        %dma_start3A_171 = tpu.memref_slice %arg2[%run_scoped3A_22, %add3A_21, %dma_start3A_170] : memref<2x2560x128xi32, #tpu.memory_space<hbm>> -> memref<1x77x128xi32, #tpu.memory_space<hbm>>
        %dma_start3A_172 = tpu.memref_squeeze %dma_start3A_171 : memref<1x77x128xi32, #tpu.memory_space<hbm>> -> memref<77x128xi32, #tpu.memory_space<hbm>>
        %dma_start3A_173 = arith.constant 0 : i32
        %dma_start3A_174 = arith.constant 0 : i32
        %dma_start3A_175 = tpu.memref_slice %arg6[%dma_start3A_173, %dma_start3A_174] : memref<83x128xi32, #tpu.memory_space<vmem>> -> memref<77x128xi32, #tpu.memory_space<vmem>>
        %dma_start3A_176 = arith.constant 0 : i32
        %dma_start3A_177 = tpu.memref_slice %arg2[%run_scoped3A_22, %add3A_21, %dma_start3A_176] : memref<2x2560x128xi32, #tpu.memory_space<hbm>> -> memref<1x77x128xi32, #tpu.memory_space<hbm>>
        %dma_start3A_178 = tpu.memref_squeeze %dma_start3A_177 : memref<1x77x128xi32, #tpu.memory_space<hbm>> -> memref<77x128xi32, #tpu.memory_space<hbm>>
        tpu.enqueue_dma source(%dma_start3A_178 : memref<77x128xi32, #tpu.memory_space<hbm>>) target(%dma_start3A_175 : memref<77x128xi32, #tpu.memory_space<vmem>>) target_semaphore(%run_scoped3A_166 : memref<!tpu.dma_semaphore, #tpu.memory_space<semaphore_mem>>)
        %dma_wait3A_179 = arith.constant 0 : i32
        %dma_wait3A_180 = arith.constant 0 : i32
        %dma_wait3A_181 = tpu.memref_slice %arg6[%dma_wait3A_179, %dma_wait3A_180] : memref<83x128xi32, #tpu.memory_space<vmem>> -> memref<77x128xi32, #tpu.memory_space<vmem>>
        %dma_wait3A_182 = arith.constant 0 : i32
        %dma_wait3A_183 = tpu.memref_slice %arg2[%run_scoped3A_22, %add3A_21, %dma_wait3A_182] : memref<2x2560x128xi32, #tpu.memory_space<hbm>> -> memref<1x77x128xi32, #tpu.memory_space<hbm>>
        %dma_wait3A_184 = tpu.memref_squeeze %dma_wait3A_183 : memref<1x77x128xi32, #tpu.memory_space<hbm>> -> memref<77x128xi32, #tpu.memory_space<hbm>>
        %dma_wait3A_185 = arith.constant 0 : i32
        %dma_wait3A_186 = arith.constant 0 : i32
        %dma_wait3A_187 = tpu.memref_slice %arg6[%dma_wait3A_185, %dma_wait3A_186] : memref<83x128xi32, #tpu.memory_space<vmem>> -> memref<77x128xi32, #tpu.memory_space<vmem>>
        %dma_wait3A_188 = arith.constant 0 : i32
        %dma_wait3A_189 = tpu.memref_slice %arg2[%run_scoped3A_22, %add3A_21, %dma_wait3A_188] : memref<2x2560x128xi32, #tpu.memory_space<hbm>> -> memref<1x77x128xi32, #tpu.memory_space<hbm>>
        %dma_wait3A_190 = tpu.memref_squeeze %dma_wait3A_189 : memref<1x77x128xi32, #tpu.memory_space<hbm>> -> memref<77x128xi32, #tpu.memory_space<hbm>>
        tpu.wait_dma2 semaphore(%run_scoped3A_166 : memref<!tpu.dma_semaphore, #tpu.memory_space<semaphore_mem>>) src(%dma_wait3A_190 : memref<77x128xi32, #tpu.memory_space<hbm>>) dst(%dma_wait3A_187 : memref<77x128xi32, #tpu.memory_space<vmem>>)
        tpu.yield
      }) : () -> ()
      %dma_start3A = arith.constant 0 : i32
      %dma_start3A_23 = arith.constant 0 : i32
      %dma_start3A_24 = tpu.memref_slice %arg5[%dma_start3A, %dma_start3A_23] : memref<83x128xi32, #tpu.memory_space<vmem>> -> memref<1x128xi32, #tpu.memory_space<vmem>>
      %dma_start3A_25 = tpu.memref_squeeze %dma_start3A_24 : memref<1x128xi32, #tpu.memory_space<vmem>> -> memref<128xi32, #tpu.memory_space<vmem>>
      %dma_start3A_26 = arith.constant 0 : i32
      %dma_start3A_27 = arith.constant 0 : i32
      %dma_start3A_28 = tpu.memref_slice %arg10[%dma_start3A_26, %dma_start3A_27] : memref<10240x64xf32, #tpu.memory_space<vmem_shared>> -> memref<10240x64xf32, #tpu.memory_space<vmem_shared>>
      tpu.enqueue_indirect_dma source(%dma_start3A_28 : memref<10240x64xf32, #tpu.memory_space<vmem_shared>>) target(%arg7 : memref<128x64xf32, #tpu.memory_space<vmem>>) offsets(%dma_start3A_25 : memref<128xi32, #tpu.memory_space<vmem>>) semaphore(%arg12 : memref<!tpu.dma_semaphore, #tpu.memory_space<semaphore_mem>>)
      %dma_start3A_29 = arith.constant 1 : i32
      %dma_start3A_30 = arith.constant 0 : i32
      %dma_start3A_31 = tpu.memref_slice %arg5[%dma_start3A_29, %dma_start3A_30] : memref<83x128xi32, #tpu.memory_space<vmem>> -> memref<1x128xi32, #tpu.memory_space<vmem>>
      %dma_start3A_32 = tpu.memref_squeeze %dma_start3A_31 : memref<1x128xi32, #tpu.memory_space<vmem>> -> memref<128xi32, #tpu.memory_space<vmem>>
      %dma_start3A_33 = arith.constant 0 : i32
      %dma_start3A_34 = arith.constant 0 : i32
      %dma_start3A_35 = tpu.memref_slice %arg10[%dma_start3A_33, %dma_start3A_34] : memref<10240x64xf32, #tpu.memory_space<vmem_shared>> -> memref<10240x64xf32, #tpu.memory_space<vmem_shared>>
      tpu.enqueue_indirect_dma source(%dma_start3A_35 : memref<10240x64xf32, #tpu.memory_space<vmem_shared>>) target(%arg8 : memref<128x64xf32, #tpu.memory_space<vmem>>) offsets(%dma_start3A_32 : memref<128xi32, #tpu.memory_space<vmem>>) semaphore(%arg13 : memref<!tpu.dma_semaphore, #tpu.memory_space<semaphore_mem>>)
      %dma_wait3A = arith.constant 0 : i32
      %dma_wait3A_36 = arith.constant 0 : i32
      %dma_wait3A_37 = tpu.memref_slice %arg5[%dma_wait3A, %dma_wait3A_36] : memref<83x128xi32, #tpu.memory_space<vmem>> -> memref<1x128xi32, #tpu.memory_space<vmem>>
      %dma_wait3A_38 = tpu.memref_squeeze %dma_wait3A_37 : memref<1x128xi32, #tpu.memory_space<vmem>> -> memref<128xi32, #tpu.memory_space<vmem>>
      %dma_wait3A_39 = arith.constant 0 : i32
      %dma_wait3A_40 = arith.constant 0 : i32
      %dma_wait3A_41 = tpu.memref_slice %arg10[%dma_wait3A_39, %dma_wait3A_40] : memref<10240x64xf32, #tpu.memory_space<vmem_shared>> -> memref<10240x64xf32, #tpu.memory_space<vmem_shared>>
      tpu.wait_indirect_dma semaphore(%arg12 : memref<!tpu.dma_semaphore, #tpu.memory_space<semaphore_mem>>) src(%dma_wait3A_41 : memref<10240x64xf32, #tpu.memory_space<vmem_shared>>) dst(%arg7 : memref<128x64xf32, #tpu.memory_space<vmem>>)
      %dma_start3A_42 = arith.constant 0 : i32
      %dma_start3A_43 = arith.constant 0 : i32
      %dma_start3A_44 = tpu.memref_slice %arg6[%dma_start3A_42, %dma_start3A_43] : memref<83x128xi32, #tpu.memory_space<vmem>> -> memref<1x128xi32, #tpu.memory_space<vmem>>
      %dma_start3A_45 = tpu.memref_squeeze %dma_start3A_44 : memref<1x128xi32, #tpu.memory_space<vmem>> -> memref<128xi32, #tpu.memory_space<vmem>>
      %dma_start3A_46 = arith.constant 0 : i32
      %dma_start3A_47 = arith.constant 0 : i32
      %dma_start3A_48 = tpu.memref_slice %arg11[%dma_start3A_46, %dma_start3A_47] : memref<10240x64xf32, #tpu.memory_space<vmem_shared>> -> memref<10240x64xf32, #tpu.memory_space<vmem_shared>>
      tpu.enqueue_indirect_dma source(%arg7 : memref<128x64xf32, #tpu.memory_space<vmem>>) target(%dma_start3A_48 : memref<10240x64xf32, #tpu.memory_space<vmem_shared>>) offsets(%dma_start3A_45 : memref<128xi32, #tpu.memory_space<vmem>>) semaphore(%arg15 : memref<!tpu.dma_semaphore, #tpu.memory_space<semaphore_mem>>) {add = true}
      %dma_start3A_49 = arith.constant 2 : i32
      %dma_start3A_50 = arith.constant 0 : i32
      %dma_start3A_51 = tpu.memref_slice %arg5[%dma_start3A_49, %dma_start3A_50] : memref<83x128xi32, #tpu.memory_space<vmem>> -> memref<1x128xi32, #tpu.memory_space<vmem>>
      %dma_start3A_52 = tpu.memref_squeeze %dma_start3A_51 : memref<1x128xi32, #tpu.memory_space<vmem>> -> memref<128xi32, #tpu.memory_space<vmem>>
      %dma_start3A_53 = arith.constant 0 : i32
      %dma_start3A_54 = arith.constant 0 : i32
      %dma_start3A_55 = tpu.memref_slice %arg10[%dma_start3A_53, %dma_start3A_54] : memref<10240x64xf32, #tpu.memory_space<vmem_shared>> -> memref<10240x64xf32, #tpu.memory_space<vmem_shared>>
      tpu.enqueue_indirect_dma source(%dma_start3A_55 : memref<10240x64xf32, #tpu.memory_space<vmem_shared>>) target(%arg9 : memref<128x64xf32, #tpu.memory_space<vmem>>) offsets(%dma_start3A_52 : memref<128xi32, #tpu.memory_space<vmem>>) semaphore(%arg14 : memref<!tpu.dma_semaphore, #tpu.memory_space<semaphore_mem>>)
      %dma_wait3A_56 = arith.constant 0 : i32
      %dma_wait3A_57 = arith.constant 0 : i32
      %dma_wait3A_58 = tpu.memref_slice %arg5[%dma_wait3A_56, %dma_wait3A_57] : memref<83x128xi32, #tpu.memory_space<vmem>> -> memref<1x128xi32, #tpu.memory_space<vmem>>
      %dma_wait3A_59 = tpu.memref_squeeze %dma_wait3A_58 : memref<1x128xi32, #tpu.memory_space<vmem>> -> memref<128xi32, #tpu.memory_space<vmem>>
      %dma_wait3A_60 = arith.constant 0 : i32
      %dma_wait3A_61 = arith.constant 0 : i32
      %dma_wait3A_62 = tpu.memref_slice %arg10[%dma_wait3A_60, %dma_wait3A_61] : memref<10240x64xf32, #tpu.memory_space<vmem_shared>> -> memref<10240x64xf32, #tpu.memory_space<vmem_shared>>
      tpu.wait_indirect_dma semaphore(%arg13 : memref<!tpu.dma_semaphore, #tpu.memory_space<semaphore_mem>>) src(%dma_wait3A_62 : memref<10240x64xf32, #tpu.memory_space<vmem_shared>>) dst(%arg8 : memref<128x64xf32, #tpu.memory_space<vmem>>)
      %dma_start3A_63 = arith.constant 1 : i32
      %dma_start3A_64 = arith.constant 0 : i32
      %dma_start3A_65 = tpu.memref_slice %arg6[%dma_start3A_63, %dma_start3A_64] : memref<83x128xi32, #tpu.memory_space<vmem>> -> memref<1x128xi32, #tpu.memory_space<vmem>>
      %dma_start3A_66 = tpu.memref_squeeze %dma_start3A_65 : memref<1x128xi32, #tpu.memory_space<vmem>> -> memref<128xi32, #tpu.memory_space<vmem>>
      %dma_start3A_67 = arith.constant 0 : i32
      %dma_start3A_68 = arith.constant 0 : i32
      %dma_start3A_69 = tpu.memref_slice %arg11[%dma_start3A_67, %dma_start3A_68] : memref<10240x64xf32, #tpu.memory_space<vmem_shared>> -> memref<10240x64xf32, #tpu.memory_space<vmem_shared>>
      tpu.enqueue_indirect_dma source(%arg8 : memref<128x64xf32, #tpu.memory_space<vmem>>) target(%dma_start3A_69 : memref<10240x64xf32, #tpu.memory_space<vmem_shared>>) offsets(%dma_start3A_66 : memref<128xi32, #tpu.memory_space<vmem>>) semaphore(%arg16 : memref<!tpu.dma_semaphore, #tpu.memory_space<semaphore_mem>>) {add = true}
      %scan3A = arith.constant 0 : i32
      %scan3A_70 = arith.constant 0 : i32
      %scan3A_71 = arith.constant 24 : i32
      %scan3A_72 = arith.addi %scan3A_70, %scan3A_71 : i32
      %scan3A_73 = arith.constant 1 : i32
      scf.for %scan3A_166 = %scan3A_70 to %scan3A_72 step %scan3A_73  : i32 {
        %mul3A_167 = arith.constant 3 : i32
        %mul3A_168 = arith.muli %mul3A_167, %scan3A_166 : i32
        %add3A_169 = arith.constant 2 : i32
        %add3A_170 = arith.addi %mul3A_168, %add3A_169 : i32
        %add3A_171 = arith.constant 0 : i32
        %add3A_172 = arith.addi %add3A_170, %add3A_171 : i32
        %dma_wait3A_173 = arith.constant 0 : i32
        %dma_wait3A_174 = arith.constant 0 : i32
        %dma_wait3A_175 = tpu.memref_slice %arg6[%dma_wait3A_173, %dma_wait3A_174] : memref<83x128xi32, #tpu.memory_space<vmem>> -> memref<1x128xi32, #tpu.memory_space<vmem>>
        %dma_wait3A_176 = tpu.memref_squeeze %dma_wait3A_175 : memref<1x128xi32, #tpu.memory_space<vmem>> -> memref<128xi32, #tpu.memory_space<vmem>>
        %dma_wait3A_177 = arith.constant 0 : i32
        %dma_wait3A_178 = arith.constant 0 : i32
        %dma_wait3A_179 = tpu.memref_slice %arg11[%dma_wait3A_177, %dma_wait3A_178] : memref<10240x64xf32, #tpu.memory_space<vmem_shared>> -> memref<10240x64xf32, #tpu.memory_space<vmem_shared>>
        tpu.wait_indirect_dma semaphore(%arg15 : memref<!tpu.dma_semaphore, #tpu.memory_space<semaphore_mem>>) src(%arg7 : memref<128x64xf32, #tpu.memory_space<vmem>>) dst(%dma_wait3A_179 : memref<10240x64xf32, #tpu.memory_space<vmem_shared>>)
        %add3A_180 = arith.constant 1 : i32
        %add3A_181 = arith.addi %add3A_172, %add3A_180 : i32
        %dma_start3A_182 = arith.constant 0 : i32
        %dma_start3A_183 = tpu.memref_slice %arg5[%add3A_181, %dma_start3A_182] : memref<83x128xi32, #tpu.memory_space<vmem>> -> memref<1x128xi32, #tpu.memory_space<vmem>>
        %dma_start3A_184 = tpu.memref_squeeze %dma_start3A_183 : memref<1x128xi32, #tpu.memory_space<vmem>> -> memref<128xi32, #tpu.memory_space<vmem>>
        %dma_start3A_185 = arith.constant 0 : i32
        %dma_start3A_186 = arith.constant 0 : i32
        %dma_start3A_187 = tpu.memref_slice %arg10[%dma_start3A_185, %dma_start3A_186] : memref<10240x64xf32, #tpu.memory_space<vmem_shared>> -> memref<10240x64xf32, #tpu.memory_space<vmem_shared>>
        tpu.enqueue_indirect_dma source(%dma_start3A_187 : memref<10240x64xf32, #tpu.memory_space<vmem_shared>>) target(%arg7 : memref<128x64xf32, #tpu.memory_space<vmem>>) offsets(%dma_start3A_184 : memref<128xi32, #tpu.memory_space<vmem>>) semaphore(%arg12 : memref<!tpu.dma_semaphore, #tpu.memory_space<semaphore_mem>>)
        %dma_wait3A_188 = arith.constant 0 : i32
        %dma_wait3A_189 = arith.constant 0 : i32
        %dma_wait3A_190 = tpu.memref_slice %arg5[%dma_wait3A_188, %dma_wait3A_189] : memref<83x128xi32, #tpu.memory_space<vmem>> -> memref<1x128xi32, #tpu.memory_space<vmem>>
        %dma_wait3A_191 = tpu.memref_squeeze %dma_wait3A_190 : memref<1x128xi32, #tpu.memory_space<vmem>> -> memref<128xi32, #tpu.memory_space<vmem>>
        %dma_wait3A_192 = arith.constant 0 : i32
        %dma_wait3A_193 = arith.constant 0 : i32
        %dma_wait3A_194 = tpu.memref_slice %arg10[%dma_wait3A_192, %dma_wait3A_193] : memref<10240x64xf32, #tpu.memory_space<vmem_shared>> -> memref<10240x64xf32, #tpu.memory_space<vmem_shared>>
        tpu.wait_indirect_dma semaphore(%arg14 : memref<!tpu.dma_semaphore, #tpu.memory_space<semaphore_mem>>) src(%dma_wait3A_194 : memref<10240x64xf32, #tpu.memory_space<vmem_shared>>) dst(%arg9 : memref<128x64xf32, #tpu.memory_space<vmem>>)
        %dma_start3A_195 = arith.constant 0 : i32
        %dma_start3A_196 = tpu.memref_slice %arg6[%add3A_172, %dma_start3A_195] : memref<83x128xi32, #tpu.memory_space<vmem>> -> memref<1x128xi32, #tpu.memory_space<vmem>>
        %dma_start3A_197 = tpu.memref_squeeze %dma_start3A_196 : memref<1x128xi32, #tpu.memory_space<vmem>> -> memref<128xi32, #tpu.memory_space<vmem>>
        %dma_start3A_198 = arith.constant 0 : i32
        %dma_start3A_199 = arith.constant 0 : i32
        %dma_start3A_200 = tpu.memref_slice %arg11[%dma_start3A_198, %dma_start3A_199] : memref<10240x64xf32, #tpu.memory_space<vmem_shared>> -> memref<10240x64xf32, #tpu.memory_space<vmem_shared>>
        tpu.enqueue_indirect_dma source(%arg9 : memref<128x64xf32, #tpu.memory_space<vmem>>) target(%dma_start3A_200 : memref<10240x64xf32, #tpu.memory_space<vmem_shared>>) offsets(%dma_start3A_197 : memref<128xi32, #tpu.memory_space<vmem>>) semaphore(%arg17 : memref<!tpu.dma_semaphore, #tpu.memory_space<semaphore_mem>>) {add = true}
        %mul3A_201 = arith.constant 3 : i32
        %mul3A_202 = arith.muli %mul3A_201, %scan3A_166 : i32
        %add3A_203 = arith.constant 2 : i32
        %add3A_204 = arith.addi %mul3A_202, %add3A_203 : i32
        %add3A_205 = arith.constant 1 : i32
        %add3A_206 = arith.addi %add3A_204, %add3A_205 : i32
        %dma_wait3A_207 = arith.constant 0 : i32
        %dma_wait3A_208 = arith.constant 0 : i32
        %dma_wait3A_209 = tpu.memref_slice %arg6[%dma_wait3A_207, %dma_wait3A_208] : memref<83x128xi32, #tpu.memory_space<vmem>> -> memref<1x128xi32, #tpu.memory_space<vmem>>
        %dma_wait3A_210 = tpu.memref_squeeze %dma_wait3A_209 : memref<1x128xi32, #tpu.memory_space<vmem>> -> memref<128xi32, #tpu.memory_space<vmem>>
        %dma_wait3A_211 = arith.constant 0 : i32
        %dma_wait3A_212 = arith.constant 0 : i32
        %dma_wait3A_213 = tpu.memref_slice %arg11[%dma_wait3A_211, %dma_wait3A_212] : memref<10240x64xf32, #tpu.memory_space<vmem_shared>> -> memref<10240x64xf32, #tpu.memory_space<vmem_shared>>
        tpu.wait_indirect_dma semaphore(%arg16 : memref<!tpu.dma_semaphore, #tpu.memory_space<semaphore_mem>>) src(%arg8 : memref<128x64xf32, #tpu.memory_space<vmem>>) dst(%dma_wait3A_213 : memref<10240x64xf32, #tpu.memory_space<vmem_shared>>)
        %add3A_214 = arith.constant 1 : i32
        %add3A_215 = arith.addi %add3A_206, %add3A_214 : i32
        %dma_start3A_216 = arith.constant 0 : i32
        %dma_start3A_217 = tpu.memref_slice %arg5[%add3A_215, %dma_start3A_216] : memref<83x128xi32, #tpu.memory_space<vmem>> -> memref<1x128xi32, #tpu.memory_space<vmem>>
        %dma_start3A_218 = tpu.memref_squeeze %dma_start3A_217 : memref<1x128xi32, #tpu.memory_space<vmem>> -> memref<128xi32, #tpu.memory_space<vmem>>
        %dma_start3A_219 = arith.constant 0 : i32
        %dma_start3A_220 = arith.constant 0 : i32
        %dma_start3A_221 = tpu.memref_slice %arg10[%dma_start3A_219, %dma_start3A_220] : memref<10240x64xf32, #tpu.memory_space<vmem_shared>> -> memref<10240x64xf32, #tpu.memory_space<vmem_shared>>
        tpu.enqueue_indirect_dma source(%dma_start3A_221 : memref<10240x64xf32, #tpu.memory_space<vmem_shared>>) target(%arg8 : memref<128x64xf32, #tpu.memory_space<vmem>>) offsets(%dma_start3A_218 : memref<128xi32, #tpu.memory_space<vmem>>) semaphore(%arg13 : memref<!tpu.dma_semaphore, #tpu.memory_space<semaphore_mem>>)
        %dma_wait3A_222 = arith.constant 0 : i32
        %dma_wait3A_223 = arith.constant 0 : i32
        %dma_wait3A_224 = tpu.memref_slice %arg5[%dma_wait3A_222, %dma_wait3A_223] : memref<83x128xi32, #tpu.memory_space<vmem>> -> memref<1x128xi32, #tpu.memory_space<vmem>>
        %dma_wait3A_225 = tpu.memref_squeeze %dma_wait3A_224 : memref<1x128xi32, #tpu.memory_space<vmem>> -> memref<128xi32, #tpu.memory_space<vmem>>
        %dma_wait3A_226 = arith.constant 0 : i32
        %dma_wait3A_227 = arith.constant 0 : i32
        %dma_wait3A_228 = tpu.memref_slice %arg10[%dma_wait3A_226, %dma_wait3A_227] : memref<10240x64xf32, #tpu.memory_space<vmem_shared>> -> memref<10240x64xf32, #tpu.memory_space<vmem_shared>>
        tpu.wait_indirect_dma semaphore(%arg12 : memref<!tpu.dma_semaphore, #tpu.memory_space<semaphore_mem>>) src(%dma_wait3A_228 : memref<10240x64xf32, #tpu.memory_space<vmem_shared>>) dst(%arg7 : memref<128x64xf32, #tpu.memory_space<vmem>>)
        %dma_start3A_229 = arith.constant 0 : i32
        %dma_start3A_230 = tpu.memref_slice %arg6[%add3A_206, %dma_start3A_229] : memref<83x128xi32, #tpu.memory_space<vmem>> -> memref<1x128xi32, #tpu.memory_space<vmem>>
        %dma_start3A_231 = tpu.memref_squeeze %dma_start3A_230 : memref<1x128xi32, #tpu.memory_space<vmem>> -> memref<128xi32, #tpu.memory_space<vmem>>
        %dma_start3A_232 = arith.constant 0 : i32
        %dma_start3A_233 = arith.constant 0 : i32
        %dma_start3A_234 = tpu.memref_slice %arg11[%dma_start3A_232, %dma_start3A_233] : memref<10240x64xf32, #tpu.memory_space<vmem_shared>> -> memref<10240x64xf32, #tpu.memory_space<vmem_shared>>
        tpu.enqueue_indirect_dma source(%arg7 : memref<128x64xf32, #tpu.memory_space<vmem>>) target(%dma_start3A_234 : memref<10240x64xf32, #tpu.memory_space<vmem_shared>>) offsets(%dma_start3A_231 : memref<128xi32, #tpu.memory_space<vmem>>) semaphore(%arg15 : memref<!tpu.dma_semaphore, #tpu.memory_space<semaphore_mem>>) {add = true}
        %mul3A_235 = arith.constant 3 : i32
        %mul3A_236 = arith.muli %mul3A_235, %scan3A_166 : i32
        %add3A_237 = arith.constant 2 : i32
        %add3A_238 = arith.addi %mul3A_236, %add3A_237 : i32
        %add3A_239 = arith.constant 2 : i32
        %add3A_240 = arith.addi %add3A_238, %add3A_239 : i32
        %dma_wait3A_241 = arith.constant 0 : i32
        %dma_wait3A_242 = arith.constant 0 : i32
        %dma_wait3A_243 = tpu.memref_slice %arg6[%dma_wait3A_241, %dma_wait3A_242] : memref<83x128xi32, #tpu.memory_space<vmem>> -> memref<1x128xi32, #tpu.memory_space<vmem>>
        %dma_wait3A_244 = tpu.memref_squeeze %dma_wait3A_243 : memref<1x128xi32, #tpu.memory_space<vmem>> -> memref<128xi32, #tpu.memory_space<vmem>>
        %dma_wait3A_245 = arith.constant 0 : i32
        %dma_wait3A_246 = arith.constant 0 : i32
        %dma_wait3A_247 = tpu.memref_slice %arg11[%dma_wait3A_245, %dma_wait3A_246] : memref<10240x64xf32, #tpu.memory_space<vmem_shared>> -> memref<10240x64xf32, #tpu.memory_space<vmem_shared>>
        tpu.wait_indirect_dma semaphore(%arg17 : memref<!tpu.dma_semaphore, #tpu.memory_space<semaphore_mem>>) src(%arg9 : memref<128x64xf32, #tpu.memory_space<vmem>>) dst(%dma_wait3A_247 : memref<10240x64xf32, #tpu.memory_space<vmem_shared>>)
        %add3A_248 = arith.constant 1 : i32
        %add3A_249 = arith.addi %add3A_240, %add3A_248 : i32
        %dma_start3A_250 = arith.constant 0 : i32
        %dma_start3A_251 = tpu.memref_slice %arg5[%add3A_249, %dma_start3A_250] : memref<83x128xi32, #tpu.memory_space<vmem>> -> memref<1x128xi32, #tpu.memory_space<vmem>>
        %dma_start3A_252 = tpu.memref_squeeze %dma_start3A_251 : memref<1x128xi32, #tpu.memory_space<vmem>> -> memref<128xi32, #tpu.memory_space<vmem>>
        %dma_start3A_253 = arith.constant 0 : i32
        %dma_start3A_254 = arith.constant 0 : i32
        %dma_start3A_255 = tpu.memref_slice %arg10[%dma_start3A_253, %dma_start3A_254] : memref<10240x64xf32, #tpu.memory_space<vmem_shared>> -> memref<10240x64xf32, #tpu.memory_space<vmem_shared>>
        tpu.enqueue_indirect_dma source(%dma_start3A_255 : memref<10240x64xf32, #tpu.memory_space<vmem_shared>>) target(%arg9 : memref<128x64xf32, #tpu.memory_space<vmem>>) offsets(%dma_start3A_252 : memref<128xi32, #tpu.memory_space<vmem>>) semaphore(%arg14 : memref<!tpu.dma_semaphore, #tpu.memory_space<semaphore_mem>>)
        %dma_wait3A_256 = arith.constant 0 : i32
        %dma_wait3A_257 = arith.constant 0 : i32
        %dma_wait3A_258 = tpu.memref_slice %arg5[%dma_wait3A_256, %dma_wait3A_257] : memref<83x128xi32, #tpu.memory_space<vmem>> -> memref<1x128xi32, #tpu.memory_space<vmem>>
        %dma_wait3A_259 = tpu.memref_squeeze %dma_wait3A_258 : memref<1x128xi32, #tpu.memory_space<vmem>> -> memref<128xi32, #tpu.memory_space<vmem>>
        %dma_wait3A_260 = arith.constant 0 : i32
        %dma_wait3A_261 = arith.constant 0 : i32
        %dma_wait3A_262 = tpu.memref_slice %arg10[%dma_wait3A_260, %dma_wait3A_261] : memref<10240x64xf32, #tpu.memory_space<vmem_shared>> -> memref<10240x64xf32, #tpu.memory_space<vmem_shared>>
        tpu.wait_indirect_dma semaphore(%arg13 : memref<!tpu.dma_semaphore, #tpu.memory_space<semaphore_mem>>) src(%dma_wait3A_262 : memref<10240x64xf32, #tpu.memory_space<vmem_shared>>) dst(%arg8 : memref<128x64xf32, #tpu.memory_space<vmem>>)
        %dma_start3A_263 = arith.constant 0 : i32
        %dma_start3A_264 = tpu.memref_slice %arg6[%add3A_240, %dma_start3A_263] : memref<83x128xi32, #tpu.memory_space<vmem>> -> memref<1x128xi32, #tpu.memory_space<vmem>>
        %dma_start3A_265 = tpu.memref_squeeze %dma_start3A_264 : memref<1x128xi32, #tpu.memory_space<vmem>> -> memref<128xi32, #tpu.memory_space<vmem>>
        %dma_start3A_266 = arith.constant 0 : i32
        %dma_start3A_267 = arith.constant 0 : i32
        %dma_start3A_268 = tpu.memref_slice %arg11[%dma_start3A_266, %dma_start3A_267] : memref<10240x64xf32, #tpu.memory_space<vmem_shared>> -> memref<10240x64xf32, #tpu.memory_space<vmem_shared>>
        tpu.enqueue_indirect_dma source(%arg8 : memref<128x64xf32, #tpu.memory_space<vmem>>) target(%dma_start3A_268 : memref<10240x64xf32, #tpu.memory_space<vmem_shared>>) offsets(%dma_start3A_265 : memref<128xi32, #tpu.memory_space<vmem>>) semaphore(%arg16 : memref<!tpu.dma_semaphore, #tpu.memory_space<semaphore_mem>>) {add = true}
      }
      %scan3A_74 = arith.constant 24 : i32
      %dma_wait3A_75 = arith.constant 0 : i32
      %dma_wait3A_76 = arith.constant 0 : i32
      %dma_wait3A_77 = tpu.memref_slice %arg6[%dma_wait3A_75, %dma_wait3A_76] : memref<83x128xi32, #tpu.memory_space<vmem>> -> memref<1x128xi32, #tpu.memory_space<vmem>>
      %dma_wait3A_78 = tpu.memref_squeeze %dma_wait3A_77 : memref<1x128xi32, #tpu.memory_space<vmem>> -> memref<128xi32, #tpu.memory_space<vmem>>
      %dma_wait3A_79 = arith.constant 0 : i32
      %dma_wait3A_80 = arith.constant 0 : i32
      %dma_wait3A_81 = tpu.memref_slice %arg11[%dma_wait3A_79, %dma_wait3A_80] : memref<10240x64xf32, #tpu.memory_space<vmem_shared>> -> memref<10240x64xf32, #tpu.memory_space<vmem_shared>>
      tpu.wait_indirect_dma semaphore(%arg15 : memref<!tpu.dma_semaphore, #tpu.memory_space<semaphore_mem>>) src(%arg7 : memref<128x64xf32, #tpu.memory_space<vmem>>) dst(%dma_wait3A_81 : memref<10240x64xf32, #tpu.memory_space<vmem_shared>>)
      %dma_start3A_82 = arith.constant 75 : i32
      %dma_start3A_83 = arith.constant 0 : i32
      %dma_start3A_84 = tpu.memref_slice %arg5[%dma_start3A_82, %dma_start3A_83] : memref<83x128xi32, #tpu.memory_space<vmem>> -> memref<1x128xi32, #tpu.memory_space<vmem>>
      %dma_start3A_85 = tpu.memref_squeeze %dma_start3A_84 : memref<1x128xi32, #tpu.memory_space<vmem>> -> memref<128xi32, #tpu.memory_space<vmem>>
      %dma_start3A_86 = arith.constant 0 : i32
      %dma_start3A_87 = arith.constant 0 : i32
      %dma_start3A_88 = tpu.memref_slice %arg10[%dma_start3A_86, %dma_start3A_87] : memref<10240x64xf32, #tpu.memory_space<vmem_shared>> -> memref<10240x64xf32, #tpu.memory_space<vmem_shared>>
      tpu.enqueue_indirect_dma source(%dma_start3A_88 : memref<10240x64xf32, #tpu.memory_space<vmem_shared>>) target(%arg7 : memref<128x64xf32, #tpu.memory_space<vmem>>) offsets(%dma_start3A_85 : memref<128xi32, #tpu.memory_space<vmem>>) semaphore(%arg12 : memref<!tpu.dma_semaphore, #tpu.memory_space<semaphore_mem>>)
      %dma_wait3A_89 = arith.constant 0 : i32
      %dma_wait3A_90 = arith.constant 0 : i32
      %dma_wait3A_91 = tpu.memref_slice %arg5[%dma_wait3A_89, %dma_wait3A_90] : memref<83x128xi32, #tpu.memory_space<vmem>> -> memref<1x128xi32, #tpu.memory_space<vmem>>
      %dma_wait3A_92 = tpu.memref_squeeze %dma_wait3A_91 : memref<1x128xi32, #tpu.memory_space<vmem>> -> memref<128xi32, #tpu.memory_space<vmem>>
      %dma_wait3A_93 = arith.constant 0 : i32
      %dma_wait3A_94 = arith.constant 0 : i32
      %dma_wait3A_95 = tpu.memref_slice %arg10[%dma_wait3A_93, %dma_wait3A_94] : memref<10240x64xf32, #tpu.memory_space<vmem_shared>> -> memref<10240x64xf32, #tpu.memory_space<vmem_shared>>
      tpu.wait_indirect_dma semaphore(%arg14 : memref<!tpu.dma_semaphore, #tpu.memory_space<semaphore_mem>>) src(%dma_wait3A_95 : memref<10240x64xf32, #tpu.memory_space<vmem_shared>>) dst(%arg9 : memref<128x64xf32, #tpu.memory_space<vmem>>)
      %dma_start3A_96 = arith.constant 74 : i32
      %dma_start3A_97 = arith.constant 0 : i32
      %dma_start3A_98 = tpu.memref_slice %arg6[%dma_start3A_96, %dma_start3A_97] : memref<83x128xi32, #tpu.memory_space<vmem>> -> memref<1x128xi32, #tpu.memory_space<vmem>>
      %dma_start3A_99 = tpu.memref_squeeze %dma_start3A_98 : memref<1x128xi32, #tpu.memory_space<vmem>> -> memref<128xi32, #tpu.memory_space<vmem>>
      %dma_start3A_100 = arith.constant 0 : i32
      %dma_start3A_101 = arith.constant 0 : i32
      %dma_start3A_102 = tpu.memref_slice %arg11[%dma_start3A_100, %dma_start3A_101] : memref<10240x64xf32, #tpu.memory_space<vmem_shared>> -> memref<10240x64xf32, #tpu.memory_space<vmem_shared>>
      tpu.enqueue_indirect_dma source(%arg9 : memref<128x64xf32, #tpu.memory_space<vmem>>) target(%dma_start3A_102 : memref<10240x64xf32, #tpu.memory_space<vmem_shared>>) offsets(%dma_start3A_99 : memref<128xi32, #tpu.memory_space<vmem>>) semaphore(%arg17 : memref<!tpu.dma_semaphore, #tpu.memory_space<semaphore_mem>>) {add = true}
      %dma_wait3A_103 = arith.constant 0 : i32
      %dma_wait3A_104 = arith.constant 0 : i32
      %dma_wait3A_105 = tpu.memref_slice %arg6[%dma_wait3A_103, %dma_wait3A_104] : memref<83x128xi32, #tpu.memory_space<vmem>> -> memref<1x128xi32, #tpu.memory_space<vmem>>
      %dma_wait3A_106 = tpu.memref_squeeze %dma_wait3A_105 : memref<1x128xi32, #tpu.memory_space<vmem>> -> memref<128xi32, #tpu.memory_space<vmem>>
      %dma_wait3A_107 = arith.constant 0 : i32
      %dma_wait3A_108 = arith.constant 0 : i32
      %dma_wait3A_109 = tpu.memref_slice %arg11[%dma_wait3A_107, %dma_wait3A_108] : memref<10240x64xf32, #tpu.memory_space<vmem_shared>> -> memref<10240x64xf32, #tpu.memory_space<vmem_shared>>
      tpu.wait_indirect_dma semaphore(%arg16 : memref<!tpu.dma_semaphore, #tpu.memory_space<semaphore_mem>>) src(%arg8 : memref<128x64xf32, #tpu.memory_space<vmem>>) dst(%dma_wait3A_109 : memref<10240x64xf32, #tpu.memory_space<vmem_shared>>)
      %dma_start3A_110 = arith.constant 76 : i32
      %dma_start3A_111 = arith.constant 0 : i32
      %dma_start3A_112 = tpu.memref_slice %arg5[%dma_start3A_110, %dma_start3A_111] : memref<83x128xi32, #tpu.memory_space<vmem>> -> memref<1x128xi32, #tpu.memory_space<vmem>>
      %dma_start3A_113 = tpu.memref_squeeze %dma_start3A_112 : memref<1x128xi32, #tpu.memory_space<vmem>> -> memref<128xi32, #tpu.memory_space<vmem>>
      %dma_start3A_114 = arith.constant 0 : i32
      %dma_start3A_115 = arith.constant 0 : i32
      %dma_start3A_116 = tpu.memref_slice %arg10[%dma_start3A_114, %dma_start3A_115] : memref<10240x64xf32, #tpu.memory_space<vmem_shared>> -> memref<10240x64xf32, #tpu.memory_space<vmem_shared>>
      tpu.enqueue_indirect_dma source(%dma_start3A_116 : memref<10240x64xf32, #tpu.memory_space<vmem_shared>>) target(%arg8 : memref<128x64xf32, #tpu.memory_space<vmem>>) offsets(%dma_start3A_113 : memref<128xi32, #tpu.memory_space<vmem>>) semaphore(%arg13 : memref<!tpu.dma_semaphore, #tpu.memory_space<semaphore_mem>>)
      %dma_wait3A_117 = arith.constant 0 : i32
      %dma_wait3A_118 = arith.constant 0 : i32
      %dma_wait3A_119 = tpu.memref_slice %arg5[%dma_wait3A_117, %dma_wait3A_118] : memref<83x128xi32, #tpu.memory_space<vmem>> -> memref<1x128xi32, #tpu.memory_space<vmem>>
      %dma_wait3A_120 = tpu.memref_squeeze %dma_wait3A_119 : memref<1x128xi32, #tpu.memory_space<vmem>> -> memref<128xi32, #tpu.memory_space<vmem>>
      %dma_wait3A_121 = arith.constant 0 : i32
      %dma_wait3A_122 = arith.constant 0 : i32
      %dma_wait3A_123 = tpu.memref_slice %arg10[%dma_wait3A_121, %dma_wait3A_122] : memref<10240x64xf32, #tpu.memory_space<vmem_shared>> -> memref<10240x64xf32, #tpu.memory_space<vmem_shared>>
      tpu.wait_indirect_dma semaphore(%arg12 : memref<!tpu.dma_semaphore, #tpu.memory_space<semaphore_mem>>) src(%dma_wait3A_123 : memref<10240x64xf32, #tpu.memory_space<vmem_shared>>) dst(%arg7 : memref<128x64xf32, #tpu.memory_space<vmem>>)
      %dma_start3A_124 = arith.constant 75 : i32
      %dma_start3A_125 = arith.constant 0 : i32
      %dma_start3A_126 = tpu.memref_slice %arg6[%dma_start3A_124, %dma_start3A_125] : memref<83x128xi32, #tpu.memory_space<vmem>> -> memref<1x128xi32, #tpu.memory_space<vmem>>
      %dma_start3A_127 = tpu.memref_squeeze %dma_start3A_126 : memref<1x128xi32, #tpu.memory_space<vmem>> -> memref<128xi32, #tpu.memory_space<vmem>>
      %dma_start3A_128 = arith.constant 0 : i32
      %dma_start3A_129 = arith.constant 0 : i32
      %dma_start3A_130 = tpu.memref_slice %arg11[%dma_start3A_128, %dma_start3A_129] : memref<10240x64xf32, #tpu.memory_space<vmem_shared>> -> memref<10240x64xf32, #tpu.memory_space<vmem_shared>>
      tpu.enqueue_indirect_dma source(%arg7 : memref<128x64xf32, #tpu.memory_space<vmem>>) target(%dma_start3A_130 : memref<10240x64xf32, #tpu.memory_space<vmem_shared>>) offsets(%dma_start3A_127 : memref<128xi32, #tpu.memory_space<vmem>>) semaphore(%arg15 : memref<!tpu.dma_semaphore, #tpu.memory_space<semaphore_mem>>) {add = true}
      %dma_wait3A_131 = arith.constant 0 : i32
      %dma_wait3A_132 = arith.constant 0 : i32
      %dma_wait3A_133 = tpu.memref_slice %arg6[%dma_wait3A_131, %dma_wait3A_132] : memref<83x128xi32, #tpu.memory_space<vmem>> -> memref<1x128xi32, #tpu.memory_space<vmem>>
      %dma_wait3A_134 = tpu.memref_squeeze %dma_wait3A_133 : memref<1x128xi32, #tpu.memory_space<vmem>> -> memref<128xi32, #tpu.memory_space<vmem>>
      %dma_wait3A_135 = arith.constant 0 : i32
      %dma_wait3A_136 = arith.constant 0 : i32
      %dma_wait3A_137 = tpu.memref_slice %arg11[%dma_wait3A_135, %dma_wait3A_136] : memref<10240x64xf32, #tpu.memory_space<vmem_shared>> -> memref<10240x64xf32, #tpu.memory_space<vmem_shared>>
      tpu.wait_indirect_dma semaphore(%arg17 : memref<!tpu.dma_semaphore, #tpu.memory_space<semaphore_mem>>) src(%arg9 : memref<128x64xf32, #tpu.memory_space<vmem>>) dst(%dma_wait3A_137 : memref<10240x64xf32, #tpu.memory_space<vmem_shared>>)
      %dma_wait3A_138 = arith.constant 0 : i32
      %dma_wait3A_139 = arith.constant 0 : i32
      %dma_wait3A_140 = tpu.memref_slice %arg5[%dma_wait3A_138, %dma_wait3A_139] : memref<83x128xi32, #tpu.memory_space<vmem>> -> memref<1x128xi32, #tpu.memory_space<vmem>>
      %dma_wait3A_141 = tpu.memref_squeeze %dma_wait3A_140 : memref<1x128xi32, #tpu.memory_space<vmem>> -> memref<128xi32, #tpu.memory_space<vmem>>
      %dma_wait3A_142 = arith.constant 0 : i32
      %dma_wait3A_143 = arith.constant 0 : i32
      %dma_wait3A_144 = tpu.memref_slice %arg10[%dma_wait3A_142, %dma_wait3A_143] : memref<10240x64xf32, #tpu.memory_space<vmem_shared>> -> memref<10240x64xf32, #tpu.memory_space<vmem_shared>>
      tpu.wait_indirect_dma semaphore(%arg13 : memref<!tpu.dma_semaphore, #tpu.memory_space<semaphore_mem>>) src(%dma_wait3A_144 : memref<10240x64xf32, #tpu.memory_space<vmem_shared>>) dst(%arg8 : memref<128x64xf32, #tpu.memory_space<vmem>>)
      %dma_start3A_145 = arith.constant 76 : i32
      %dma_start3A_146 = arith.constant 0 : i32
      %dma_start3A_147 = tpu.memref_slice %arg6[%dma_start3A_145, %dma_start3A_146] : memref<83x128xi32, #tpu.memory_space<vmem>> -> memref<1x128xi32, #tpu.memory_space<vmem>>
      %dma_start3A_148 = tpu.memref_squeeze %dma_start3A_147 : memref<1x128xi32, #tpu.memory_space<vmem>> -> memref<128xi32, #tpu.memory_space<vmem>>
      %dma_start3A_149 = arith.constant 0 : i32
      %dma_start3A_150 = arith.constant 0 : i32
      %dma_start3A_151 = tpu.memref_slice %arg11[%dma_start3A_149, %dma_start3A_150] : memref<10240x64xf32, #tpu.memory_space<vmem_shared>> -> memref<10240x64xf32, #tpu.memory_space<vmem_shared>>
      tpu.enqueue_indirect_dma source(%arg8 : memref<128x64xf32, #tpu.memory_space<vmem>>) target(%dma_start3A_151 : memref<10240x64xf32, #tpu.memory_space<vmem_shared>>) offsets(%dma_start3A_148 : memref<128xi32, #tpu.memory_space<vmem>>) semaphore(%arg16 : memref<!tpu.dma_semaphore, #tpu.memory_space<semaphore_mem>>) {add = true}
      %dma_wait3A_152 = arith.constant 0 : i32
      %dma_wait3A_153 = arith.constant 0 : i32
      %dma_wait3A_154 = tpu.memref_slice %arg6[%dma_wait3A_152, %dma_wait3A_153] : memref<83x128xi32, #tpu.memory_space<vmem>> -> memref<1x128xi32, #tpu.memory_space<vmem>>
      %dma_wait3A_155 = tpu.memref_squeeze %dma_wait3A_154 : memref<1x128xi32, #tpu.memory_space<vmem>> -> memref<128xi32, #tpu.memory_space<vmem>>
      %dma_wait3A_156 = arith.constant 0 : i32
      %dma_wait3A_157 = arith.constant 0 : i32
      %dma_wait3A_158 = tpu.memref_slice %arg11[%dma_wait3A_156, %dma_wait3A_157] : memref<10240x64xf32, #tpu.memory_space<vmem_shared>> -> memref<10240x64xf32, #tpu.memory_space<vmem_shared>>
      tpu.wait_indirect_dma semaphore(%arg15 : memref<!tpu.dma_semaphore, #tpu.memory_space<semaphore_mem>>) src(%arg7 : memref<128x64xf32, #tpu.memory_space<vmem>>) dst(%dma_wait3A_158 : memref<10240x64xf32, #tpu.memory_space<vmem_shared>>)
      %dma_wait3A_159 = arith.constant 0 : i32
      %dma_wait3A_160 = arith.constant 0 : i32
      %dma_wait3A_161 = tpu.memref_slice %arg6[%dma_wait3A_159, %dma_wait3A_160] : memref<83x128xi32, #tpu.memory_space<vmem>> -> memref<1x128xi32, #tpu.memory_space<vmem>>
      %dma_wait3A_162 = tpu.memref_squeeze %dma_wait3A_161 : memref<1x128xi32, #tpu.memory_space<vmem>> -> memref<128xi32, #tpu.memory_space<vmem>>
      %dma_wait3A_163 = arith.constant 0 : i32
      %dma_wait3A_164 = arith.constant 0 : i32
      %dma_wait3A_165 = tpu.memref_slice %arg11[%dma_wait3A_163, %dma_wait3A_164] : memref<10240x64xf32, #tpu.memory_space<vmem_shared>> -> memref<10240x64xf32, #tpu.memory_space<vmem_shared>>
      tpu.wait_indirect_dma semaphore(%arg16 : memref<!tpu.dma_semaphore, #tpu.memory_space<semaphore_mem>>) src(%arg8 : memref<128x64xf32, #tpu.memory_space<vmem>>) dst(%dma_wait3A_165 : memref<10240x64xf32, #tpu.memory_space<vmem_shared>>)
    } else {
    }
    %barrier3A_18 = arith.constant 0 : index
    tpu.barrier barrier_id(%barrier3A_18)
    "tpu.region"() ({
      %run_scoped3A = tpu.sem_alloc : memref<!tpu.dma_semaphore, #tpu.memory_space<semaphore_mem>>
      %dma_start3A = arith.constant 0 : i32
      %dma_start3A_19 = tpu.memref_slice %arg4[%arg0, %mul3A_0, %dma_start3A] : memref<2x10240x64xf32, #tpu.memory_space<hbm>> -> memref<1x640x64xf32, #tpu.memory_space<hbm>>
      %dma_start3A_20 = tpu.memref_squeeze %dma_start3A_19 : memref<1x640x64xf32, #tpu.memory_space<hbm>> -> memref<640x64xf32, #tpu.memory_space<hbm>>
      %dma_start3A_21 = arith.constant 0 : i32
      %dma_start3A_22 = tpu.memref_slice %arg11[%mul3A_0, %dma_start3A_21] : memref<10240x64xf32, #tpu.memory_space<vmem_shared>> -> memref<640x64xf32, #tpu.memory_space<vmem_shared>>
      tpu.enqueue_dma source(%dma_start3A_22 : memref<640x64xf32, #tpu.memory_space<vmem_shared>>) target(%dma_start3A_20 : memref<640x64xf32, #tpu.memory_space<hbm>>) target_semaphore(%run_scoped3A : memref<!tpu.dma_semaphore, #tpu.memory_space<semaphore_mem>>)
      %dma_wait3A = arith.constant 0 : i32
      %dma_wait3A_23 = tpu.memref_slice %arg4[%arg0, %mul3A_0, %dma_wait3A] : memref<2x10240x64xf32, #tpu.memory_space<hbm>> -> memref<1x640x64xf32, #tpu.memory_space<hbm>>
      %dma_wait3A_24 = tpu.memref_squeeze %dma_wait3A_23 : memref<1x640x64xf32, #tpu.memory_space<hbm>> -> memref<640x64xf32, #tpu.memory_space<hbm>>
      %dma_wait3A_25 = arith.constant 0 : i32
      %dma_wait3A_26 = tpu.memref_slice %arg11[%mul3A_0, %dma_wait3A_25] : memref<10240x64xf32, #tpu.memory_space<vmem_shared>> -> memref<640x64xf32, #tpu.memory_space<vmem_shared>>
      tpu.wait_dma2 semaphore(%run_scoped3A : memref<!tpu.dma_semaphore, #tpu.memory_space<semaphore_mem>>) src(%dma_wait3A_26 : memref<640x64xf32, #tpu.memory_space<vmem_shared>>) dst(%dma_wait3A_24 : memref<640x64xf32, #tpu.memory_space<hbm>>)
      tpu.yield
    }) : () -> ()
    return
  }
}

module attributes {stable_mosaic.version = 14 : i64} {
  func.func @_mm_tc_body(%arg0: i32, %arg1: memref<2048x128xf32, #tpu.memory_space<vmem>>, %arg2: memref<128x64xf32, #tpu.memory_space<vmem>>, %arg3: memref<2048x64xf32, #tpu.memory_space<vmem>>) attributes {dimension_semantics = [#tpu.dimension_semantics<arbitrary>], iteration_bounds = array<i64: 5>, scalar_prefetch = 0 : i64, scratch_operands = 0 : i64, tpu.core_type = #tpu.core_type<tc>, window_params = [{transform_indices = @transform_0, window_bounds = array<i64: 2048, 128>}, {pipeline_mode = #tpu.pipeline_mode<synchronous>, transform_indices = @transform_1, window_bounds = array<i64: 128, 64>}, {transform_indices = @transform_2, window_bounds = array<i64: 2048, 64>}]} {
    %get3A = arith.constant 0 : index
    %get3A_0 = arith.constant 0 : index
    %get3A_1 = vector.load %arg1[%get3A, %get3A_0] : memref<2048x128xf32, #tpu.memory_space<vmem>>, vector<2048x128xf32>
    %get3A_2 = arith.constant 0 : index
    %get3A_3 = arith.constant 0 : index
    %get3A_4 = vector.load %arg2[%get3A_2, %get3A_3] : memref<128x64xf32, #tpu.memory_space<vmem>>, vector<128x64xf32>
    %dot_general3A = arith.constant dense<0.000000e+00> : vector<2048x64xf32>
    %dot_general3A_5 = tpu.matmul %get3A_1, %get3A_4, %dot_general3A {dimension_numbers = #tpu.dot_dimension_numbers<[1], [0], [0], [1], [0, 0, 1, 1], [], []>, transpose_lhs_hint = false} : vector<2048x128xf32>, vector<128x64xf32>, vector<2048x64xf32> -> vector<2048x64xf32>
    %swap3A = arith.constant 0 : index
    %swap3A_6 = arith.constant 0 : index
    %swap3A_7 = vector.load %arg3[%swap3A, %swap3A_6] : memref<2048x64xf32, #tpu.memory_space<vmem>>, vector<2048x64xf32>
    tpu.vector_store %arg3[%swap3A, %swap3A_6], %dot_general3A_5 {strides = array<i32>} : memref<2048x64xf32, #tpu.memory_space<vmem>>, vector<2048x64xf32>,
    return
  }
  func.func @transform_0(%arg0: i32) -> (i32, i32) {
    %c0_i32 = arith.constant 0 : i32
    %c0_i32_0 = arith.constant 0 : i32
    return %arg0, %c0_i32 : i32, i32
  }
  func.func @transform_1(%arg0: i32) -> (i32, i32) {
    %c0_i32 = arith.constant 0 : i32
    %c0_i32_0 = arith.constant 0 : i32
    %c0_i32_1 = arith.constant 0 : i32
    return %c0_i32, %c0_i32_0 : i32, i32
  }
  func.func @transform_2(%arg0: i32) -> (i32, i32) {
    %c0_i32 = arith.constant 0 : i32
    %c0_i32_0 = arith.constant 0 : i32
    return %arg0, %c0_i32 : i32, i32
  }
}

module attributes {stable_mosaic.version = 14 : i64} {
  func.func @_scale_tc_body(%arg0: i32, %arg1: memref<2048x64xf32, #tpu.memory_space<vmem>>, %arg2: memref<2048xf32, #tpu.memory_space<vmem>>, %arg3: memref<2048xf32, #tpu.memory_space<vmem>>, %arg4: memref<2048x64xf32, #tpu.memory_space<vmem>>, %arg5: memref<2048xf32, #tpu.memory_space<vmem>>) attributes {dimension_semantics = [#tpu.dimension_semantics<arbitrary>], iteration_bounds = array<i64: 5>, scalar_prefetch = 0 : i64, scratch_operands = 0 : i64, tpu.core_type = #tpu.core_type<tc>, window_params = [{transform_indices = @transform_0, window_bounds = array<i64: 2048, 64>}, {transform_indices = @transform_1, window_bounds = array<i64: 2048>}, {transform_indices = @transform_2, window_bounds = array<i64: 2048>}, {transform_indices = @transform_3, window_bounds = array<i64: 2048, 64>}, {transform_indices = @transform_4, window_bounds = array<i64: 2048>}]} {
    %get3A = arith.constant 0 : index
    %get3A_0 = vector.load %arg2[%get3A] : memref<2048xf32, #tpu.memory_space<vmem>>, vector<2048xf32>
    %get3A_1 = arith.constant 0 : index
    %get3A_2 = vector.load %arg3[%get3A_1] : memref<2048xf32, #tpu.memory_space<vmem>>, vector<2048xf32>
    %add3A = arith.addf %get3A_0, %get3A_2 : vector<2048xf32>
    %add3A_3 = arith.constant 1.000000e+00 : f32
    %add3A_4 = vector.broadcast %add3A_3 : f32 to vector<2048xf32>
    %add3A_5 = arith.addf %add3A, %add3A_4 : vector<2048xf32>
    %rsqrt3A = math.rsqrt %add3A_5 : vector<2048xf32>
    %get3A_6 = arith.constant 0 : index
    %get3A_7 = arith.constant 0 : index
    %get3A_8 = vector.load %arg1[%get3A_6, %get3A_7] : memref<2048x64xf32, #tpu.memory_space<vmem>>, vector<2048x64xf32>
    %broadcast_in_dim3A = vector.shape_cast %rsqrt3A : vector<2048xf32> to vector<2048x1xf32>
    %mul3A = vector.broadcast %broadcast_in_dim3A : vector<2048x1xf32> to vector<2048x64xf32>
    %mul3A_9 = arith.mulf %get3A_8, %mul3A : vector<2048x64xf32>
    %swap3A = arith.constant 0 : index
    %swap3A_10 = arith.constant 0 : index
    %swap3A_11 = vector.load %arg4[%swap3A, %swap3A_10] : memref<2048x64xf32, #tpu.memory_space<vmem>>, vector<2048x64xf32>
    tpu.vector_store %arg4[%swap3A, %swap3A_10], %mul3A_9 {strides = array<i32>} : memref<2048x64xf32, #tpu.memory_space<vmem>>, vector<2048x64xf32>,
    %swap3A_12 = arith.constant 0 : index
    %swap3A_13 = vector.load %arg5[%swap3A_12] : memref<2048xf32, #tpu.memory_space<vmem>>, vector<2048xf32>
    tpu.vector_store %arg5[%swap3A_12], %rsqrt3A {strides = array<i32>} : memref<2048xf32, #tpu.memory_space<vmem>>, vector<2048xf32>,
    return
  }
  func.func @transform_0(%arg0: i32) -> (i32, i32) {
    %c0_i32 = arith.constant 0 : i32
    %c0_i32_0 = arith.constant 0 : i32
    return %arg0, %c0_i32 : i32, i32
  }
  func.func @transform_1(%arg0: i32) -> i32 {
    %c0_i32 = arith.constant 0 : i32
    return %arg0 : i32
  }
  func.func @transform_2(%arg0: i32) -> i32 {
    %add3A = arith.constant 5 : i32
    %add3A_0 = arith.addi %arg0, %add3A : i32
    %c0_i32 = arith.constant 0 : i32
    return %add3A_0 : i32
  }
  func.func @transform_3(%arg0: i32) -> (i32, i32) {
    %c0_i32 = arith.constant 0 : i32
    %c0_i32_0 = arith.constant 0 : i32
    return %arg0, %c0_i32 : i32, i32
  }
  func.func @transform_4(%arg0: i32) -> i32 {
    %c0_i32 = arith.constant 0 : i32
    return %arg0 : i32
  }
}

module attributes {stable_mosaic.version = 14 : i64} {
  func.func @_final_tc_body(%arg0: i32, %arg1: memref<1x1024x128xf32, #tpu.memory_space<vmem>>, %arg2: memref<1x1024x128xf32, #tpu.memory_space<vmem>>, %arg3: memref<1024x128xf32, #tpu.memory_space<vmem>>, %arg4: memref<1x128xf32, #tpu.memory_space<vmem>>, %arg5: memref<1024x128xf32, #tpu.memory_space<vmem>>) attributes {dimension_semantics = [#tpu.dimension_semantics<arbitrary>], iteration_bounds = array<i64: 5>, scalar_prefetch = 0 : i64, scratch_operands = 0 : i64, tpu.core_type = #tpu.core_type<tc>, window_params = [{transform_indices = @transform_0, window_bounds = array<i64: 1, 1024, 128>}, {transform_indices = @transform_1, window_bounds = array<i64: 1, 1024, 128>}, {transform_indices = @transform_2, window_bounds = array<i64: 1024, 128>}, {pipeline_mode = #tpu.pipeline_mode<synchronous>, transform_indices = @transform_3, window_bounds = array<i64: 1, 128>}, {transform_indices = @transform_4, window_bounds = array<i64: 1024, 128>}]} {
    %get3A = arith.constant 0 : index
    %get3A_0 = arith.constant 0 : index
    %get3A_1 = arith.constant 0 : index
    %get3A_2 = vector.load %arg1[%get3A, %get3A_0, %get3A_1] : memref<1x1024x128xf32, #tpu.memory_space<vmem>>, vector<1x1024x128xf32>
    %get3A_3 = vector.shape_cast %get3A_2 : vector<1x1024x128xf32> to vector<1024x128xf32>
    %get3A_4 = arith.constant 0 : index
    %get3A_5 = arith.constant 0 : index
    %get3A_6 = arith.constant 0 : index
    %get3A_7 = vector.load %arg2[%get3A_4, %get3A_5, %get3A_6] : memref<1x1024x128xf32, #tpu.memory_space<vmem>>, vector<1x1024x128xf32>
    %get3A_8 = vector.shape_cast %get3A_7 : vector<1x1024x128xf32> to vector<1024x128xf32>
    %add3A = arith.addf %get3A_3, %get3A_8 : vector<1024x128xf32>
    %get3A_9 = arith.constant 0 : index
    %get3A_10 = arith.constant 0 : index
    %get3A_11 = vector.load %arg3[%get3A_9, %get3A_10] : memref<1024x128xf32, #tpu.memory_space<vmem>>, vector<1024x128xf32>
    %mul3A = arith.mulf %add3A, %get3A_11 : vector<1024x128xf32>
    %get3A_12 = arith.constant 0 : index
    %get3A_13 = arith.constant 0 : index
    %get3A_14 = vector.load %arg4[%get3A_12, %get3A_13] : memref<1x128xf32, #tpu.memory_space<vmem>>, vector<1x128xf32>
    %add3A_15 = vector.broadcast %get3A_14 : vector<1x128xf32> to vector<1024x128xf32>
    %add3A_16 = arith.addf %mul3A, %add3A_15 : vector<1024x128xf32>
    %swap3A = arith.constant 0 : index
    %swap3A_17 = arith.constant 0 : index
    %swap3A_18 = vector.load %arg5[%swap3A, %swap3A_17] : memref<1024x128xf32, #tpu.memory_space<vmem>>, vector<1024x128xf32>
    tpu.vector_store %arg5[%swap3A, %swap3A_17], %add3A_16 {strides = array<i32>} : memref<1024x128xf32, #tpu.memory_space<vmem>>, vector<1024x128xf32>,
    return
  }
  func.func @transform_0(%arg0: i32) -> (i32, i32, i32) {
    %c0_i32 = arith.constant 0 : i32
    %c0_i32_0 = arith.constant 0 : i32
    %c0_i32_1 = arith.constant 0 : i32
    return %c0_i32, %arg0, %c0_i32_0 : i32, i32, i32
  }
  func.func @transform_1(%arg0: i32) -> (i32, i32, i32) {
    %c1_i32 = arith.constant 1 : i32
    %c0_i32 = arith.constant 0 : i32
    %c0_i32_0 = arith.constant 0 : i32
    return %c1_i32, %arg0, %c0_i32 : i32, i32, i32
  }
  func.func @transform_2(%arg0: i32) -> (i32, i32) {
    %c0_i32 = arith.constant 0 : i32
    %c0_i32_0 = arith.constant 0 : i32
    return %arg0, %c0_i32 : i32, i32
  }
  func.func @transform_3(%arg0: i32) -> (i32, i32) {
    %c0_i32 = arith.constant 0 : i32
    %c0_i32_0 = arith.constant 0 : i32
    %c0_i32_1 = arith.constant 0 : i32
    return %c0_i32, %c0_i32_0 : i32, i32
  }
  func.func @transform_4(%arg0: i32) -> (i32, i32) {
    %c0_i32 = arith.constant 0 : i32
    %c0_i32_0 = arith.constant 0 : i32
    return %arg0, %c0_i32 : i32, i32
  }
}

</mosaic_0001>

<sc_bundles>
// kernel: kernel.10.cloned.1.call-start
scs
__scs_entry_jumppad:
0x0: {  	(pc) =	sbr.rel $0x88, $3  }
0x1: {  	(tag) =	ssettag $0x0;
	lr =	simm.s32 $0x1  }
0x2: {  	[smem:$0x3F9D] =	sst lr;
	_ =	strace $0xD0000000  }
0x3: {  	_ = 	snop  }
0x4: {  	_ = 	snop  }
0x5: {  	_ = 	snop  }
0x6: {  	_ = 	snop  }
0x7: {  	_ = 	snop  }
__scs_overlays_trampoline_lowered:
0x8: {  	[smem:$0x3FAC] =	sst s0  }
0x9: {  	[smem:$0x3FAD] =	sst s1  }
0xa: {  	[smem:$0x3FAE] =	sst s2  }
0xb: {  	[smem:$0x3FAF] =	sst s3  }
0xc: {  	[smem:$0x3FB0] =	sst s4  }
0xd: {  	[smem:$0x3FB1] =	sst s5  }
0xe: {  	[smem:$0x3FB2] =	sst s6  }
0xf: {  	[smem:$0x3FB3] =	sst s7  }
0x10: {  	[smem:$0x3FB4] =	sst s8  }
0x11: {  	[smem:$0x3FB5] =	sst s9;
	s0 =	simm.s32 @!p0 $0x0  }
0x12: {  	s1 =	sld [smem:$0x3F9B];
	s0 =	simm.s32 @p0 $0x1  }
0x13: {  	[smem:$0x3FB6] =	sst s0;
	s0 =	simm.s32 @!p1 $0x0  }
0x14: {  	s2 =	sld [smem:$0x3F9A];
	s0 =	simm.s32 @p1 $0x1  }
0x15: {  	[smem:$0x3FB7] =	sst s0;
	s0 =	simm.s32 @!p2 $0x0  }
0x16: {  	s3 =	sld [smem:$0x3FDB];
	s0 =	simm.s32 @p2 $0x1  }
0x17: {  	s4 =	simm.s32 $0x1BF5;
	[smem:$0x3FB9] =	sst s0  }
0x18: {  	s0 =	sld [smem:$0x3F9C];
	_ =	swait.ge [sflag:s4], $0x0  }
0x19: {  	s7 =	sld [smem:$0x3F9D]  }
0x1a: {  	s8 =	sadd.s32 $0xFFFFE003, lr  }
0x1b: {  	s9 =	sadd.s32 $0xFFFFFEF7, lr;
	s5 =	simm.s32 $0xFFFFFFFF;
	p2 =	slt.u32 s8, $0xFFFFF086  }
0x1c: {  	p1 =	slt.u32 s9, $0xF7A;
	s5 =	simm.s32 @!p2 $0x0  }
0x1d: {  	s5 =	simm.s32 @p1 $0x1;
	p0 =	seq.s32 s7, s2  }
0x1e: {  	s7 =	smul.u32 @!p0 $0xF7A, s2;
	p2 =	seq.s32 @!p0 s5, $0x0  }
0x1f: {  	s9 =	smul.u32 $0xF7A, s1;
	s8 =	simm.s32 @!p0 $0x1BF5;
	p2 =	por !p2, p0  }
0x20: {  	[sflag:s8] =	ssyncset.s32 @!p0 $0xFFFFF086;
	s6 =	sadd.s32 @!p0 s3, s7;
	s7 =	simm.s32 @!p0 $0x108  }
0x21: {  	s3 =	sadd.s32 s3, s9;
	s6 =	sadd.s32 @!p0 $0x88, s6;
	s7 =	simm.s32 @p2 $0x1082  }
0x22: {  	[simem:s7], [sflag:s8] =	dma.local @!p0 [hbm:s6], $0xF7A  }
0x23: {  	s9 =	sor.u32 $0xD0000000, s2;
	s6 =	simm.s32 $0x108;
	_ =	swait.ge @!p0 [sflag:s8], $0x0  }
0x24: {  	s3 =	sadd.s32 $0x88, s3;
	s6 =	simm.s32 @!p1 $0x1082;
	[sflag:s4] =	ssyncset.s32 $0xFFFFF086  }
0x25: {  	[simem:s6], [sflag:s4] =	dma.local [hbm:s3], $0xF7A  }
0x26: {  	[smem:$0x3F9D] =	sst s1;
	(tag) =	ssettag s2;
	_ =	strace s9  }
0x27: {  	s1 =	sld [smem:$0x3FAD]  }
0x28: {  	s2 =	sld [smem:$0x3FAE]  }
0x29: {  	s4 =	sld [smem:$0x3FB0]  }
0x2a: {  	p0 =	seq.s32 s5, $0x0;
	s5 =	sld [smem:$0x3FB1]  }
0x2b: {  	s6 =	sld [smem:$0x3FB2]  }
0x2c: {  	s7 =	sld [smem:$0x3FB3]  }
0x2d: {  	s3 =	simm.s32 $0x108;
	s8 =	sld [smem:$0x3FB4]  }
0x2e: {  	s3 =	simm.s32 @!p0 $0x1082;
	s9 =	sld [smem:$0x3FB5]  }
0x2f: {  	lr =	sadd.s32 s0, s3;
	s0 =	sld [smem:$0x3FAC]  }
0x30: {  	s3 =	sld [smem:$0x3FAF]  }
0x31: {  	[smem:$0x3FB8] =	sst s10  }
0x32: {  	s10 =	sld [smem:$0x3FB6];
	_ =	sdelay $0x3  }
0x33: {  	p0 =	seq.s32 s10, $0x1;
	s10 =	sld [smem:$0x3FB8];
	_ =	sdelay $0x3  }
0x34: {  	[smem:$0x3FB8] =	sst s10  }
0x35: {  	s10 =	sld [smem:$0x3FB7];
	_ =	sdelay $0x3  }
0x36: {  	p1 =	seq.s32 s10, $0x1;
	s10 =	sld [smem:$0x3FB8];
	_ =	sdelay $0x3  }
0x37: {  	[smem:$0x3FB8] =	sst s10  }
0x38: {  	s10 =	sld [smem:$0x3FB9]  }
0x39: {  	_ = 	snop;
	(pc) =	sbr.ind lr, $3  }
0x3a: {  	_ = 	snop  }
0x3b: {  	_ = 	snop  }
0x3c: {  	p2 =	seq.s32 s10, $0x1;
	s10 =	sld [smem:$0x3FB8]  }
0x3d: {  	_ =	shalt  }
0x3e: {  	_ =	shalt  }
0x3f: {  	_ =	shalt  }
0x40: {  	_ =	shalt  }
0x41: {  	_ =	shalt  }
0x42: {  	_ =	shalt  }
0x43: {  	_ =	shalt  }
0x44: {  	_ =	shalt  }
0x45: {  	_ =	shalt  }
0x46: {  	_ =	shalt  }
0x47: {  	_ =	shalt  }
0x48: {  	_ =	shalt  }
0x49: {  	_ =	shalt  }
0x4a: {  	_ =	shalt  }
0x4b: {  	_ =	shalt  }
0x4c: {  	_ =	shalt  }
0x4d: {  	_ =	shalt  }
0x4e: {  	_ =	shalt  }
0x4f: {  	_ =	shalt  }
0x50: {  	_ =	shalt  }
0x51: {  	_ =	shalt  }
0x52: {  	_ =	shalt  }
0x53: {  	_ =	shalt  }
0x54: {  	_ =	shalt  }
0x55: {  	_ =	shalt  }
0x56: {  	_ =	shalt  }
0x57: {  	_ =	shalt  }
0x58: {  	_ =	shalt  }
0x59: {  	_ =	shalt  }
0x5a: {  	_ =	shalt  }
0x5b: {  	_ =	shalt  }
0x5c: {  	_ =	shalt  }
0x5d: {  	_ =	shalt  }
0x5e: {  	_ =	shalt  }
0x5f: {  	_ =	shalt  }
0x60: {  	_ =	shalt  }
0x61: {  	_ =	shalt  }
0x62: {  	_ =	shalt  }
0x63: {  	_ =	shalt  }
0x64: {  	_ =	shalt  }
0x65: {  	_ =	shalt  }
0x66: {  	_ =	shalt  }
0x67: {  	_ =	shalt  }
0x68: {  	_ =	shalt  }
0x69: {  	_ =	shalt  }
0x6a: {  	_ =	shalt  }
0x6b: {  	_ =	shalt  }
0x6c: {  	_ =	shalt  }
0x6d: {  	_ =	shalt  }
0x6e: {  	_ =	shalt  }
0x6f: {  	_ =	shalt  }
0x70: {  	_ =	shalt  }
0x71: {  	_ =	shalt  }
0x72: {  	_ =	shalt  }
0x73: {  	_ =	shalt  }
0x74: {  	_ =	shalt  }
0x75: {  	_ =	shalt  }
0x76: {  	_ =	shalt  }
0x77: {  	_ =	shalt  }
0x78: {  	_ =	shalt  }
0x79: {  	_ =	shalt  }
0x7a: {  	_ =	shalt  }
0x7b: {  	_ =	shalt  }
0x7c: {  	_ =	shalt  }
0x7d: {  	_ =	shalt  }
0x7e: {  	_ =	shalt  }
0x7f: {  	_ =	shalt  }
0x80: {  	_ =	shalt  }
0x81: {  	_ =	shalt  }
0x82: {  	_ =	shalt  }
0x83: {  	_ =	shalt  }
0x84: {  	_ =	shalt  }
0x85: {  	_ =	shalt  }
0x86: {  	_ =	shalt  }
0x87: {  	_ =	shalt  }
.Lfunc_end0:
.L_simem_size_0:
called_computation.1_lowered:
.L_overlay_start_0:
0x88: {  	s2 =	sld [smem:$0x3FD9]  }
0x89: {  	s3 =	sld [smem:$0x3FFE];
	_ =	sdelay $0x1  }
0x8a: {  	s1 =	srdreg.scid  }
0x8b: {  	s0 =	sand.u32 $0x1, s1  }
0x8c: {  	s16 =	sshll.u32 s0, $0xA;
	s2 =	sadd.s32 s3, s2  }
0x8d: {  	s2 =	sadd.s32 s2, s16  }
0x8e: {  	[smem:$0x3FC4] =	sst s2  }
0x8f: {  	_ = 	snop  }
0x90: {  	(tm) =	ssettm $0x1  }
0x91: {  	s17 =	sld [smem:$0x3FFB];
	_ =	sdelay $0x3  }
0x92: {  	_ =	strace s17  }
0x93: {  	s2 =	sld [smem:$0x3FFC];
	_ =	sdelay $0x3  }
0x94: {  	_ =	strace s2  }
0x95: {  	s2 =	sld [smem:$0x3FFD];
	_ =	sdelay $0x3  }
0x96: {  	_ =	strace s2  }
0x97: {  	_ =	strace $0x8FFFFFFF  }
0x98: {  	s18 =	sld [smem:$0x3FDB];
	_ =	sdelay $0x1  }
0x99: {  	s19 =	simm.s32 $_scs_section_size  }
0x9a: {  	s4 =	simm.s32 $_size__tile_overlayer_lowered;
	s5 =	simm.s32 $_tile_overlayer_lowered  }
0x9b: {  	s22 =	simm.s32 $0x1BFF;
	s21 =	sshll.u32 s5, $0x1;
	s2 =	sadd.s32 s19, s18  }
0x9c: {  	s6 =	simm.s32 $0x0;
	s20 =	sshll.u32 s4, $0x1;
	s4 =	sadd.s32 s21, s2  }
0x9d: {  	[timem:s6], [sflag:s22] =	dma.local [hbm:s4], s20  }
0x9e: {  	_ =	swait.ge [sflag:s22], s20  }
0x9f: {  	s3 =	ssub.s32 $0x0, s20;
	[sflag:s22] =	ssyncset.done $0x0  }
0xa0: {  	[sflag:s22] =	ssyncadd.s32 s3;
	_ =	sdelay $0x1  }
0xa1: {  	s23 =	simm.s32 $0x1B8B  }
0xa2: {  	_ =	swait.ge [sflag:s23], $0x1  }
0xa3: {  	[sflag:s23] =	ssyncset.done $0x0  }
0xa4: {  	s25 =	simm.s32 $0x1B8E;
	s24 =	sld [smem:$0x3FFE];
	[sflag:s23] =	ssyncadd.s32 $0xFFFFFFFF  }
0xa5: {  	s26 =	simm.s32 $execute0_lowered;
	[smem:$0x3FD2] =	sst s25  }
0xa6: {  	s4 =	sshll.u32 s26, $0x1;
	_ =	strace $0x80000049;
	[dreg:$0x1] =	wrdreg $0xFFFFFFFF  }
0xa7: {  	s28 =	simm.s32 $_size_execute0_lowered;
	s2 =	sadd.s32 s2, s4;
	[dreg:$0x0] =	wrdreg $0x0  }
0xa8: {  	s4 =	sshll.u32 s28, $0x1;
	[dreg:$0x2] =	wrdreg s2  }
0xa9: {  	[dreg:$0x3] =	wrdreg s4  }
0xaa: {  	[dreg:$0x4] =	wrdreg $0xC0  }
0xab: {  	_ =	task [dreg:s6], $0x5FFFF  }
0xac: {  	[dreg:$0x1] =	wrdreg $0xFFFFFFFF  }
0xad: {  	[dreg:$0x0] =	wrdreg $0x60  }
0xae: {  	[dreg:$0x2] =	wrdreg s24  }
0xaf: {  	[dreg:$0x3] =	wrdreg $0xB3000  }
0xb0: {  	[dreg:$0x4] =	wrdreg $0x153000  }
0xb1: {  	[dreg:$0x5] =	wrdreg $0x9  }
0xb2: {  	_ =	task.clear_ibuf [dreg:s6], $0x6FFFF;
	_ =	strace $0x90000049  }
0xb3: {  	s29 =	simm.s32 $0x9;
	_ =	strace $0x8000004B  }
0xb4: {  	_ =	swait.ge [sflag:s29], $0x1  }
0xb5: {  	[sflag:s29] =	ssyncadd.s32 $0xFFFFFFFF  }
0xb6: {  	_ =	strace $0x9000004B  }
0xb7: {  	_ =	sfence  }
0xb8: {  	s30 =	sld [smem:$0x0];
	_ =	sdelay $0x2  }
0xb9: {  	s31 =	sshll.u32 s1, $0xD;
	s1 =	sshrl.u32 s1, $0x2  }
0xba: {  	s3 =	sand.u32 $0x4000, s31;
	s1 =	sadd.s32 s1, s30  }
0xbb: {  	s0 =	sor.u32 s3, s0;
	s1 =	sshll.u32 s1, $0x11  }
0xbc: {  	s0 =	sor.u32 s1, s0  }
0xbd: {  	s0 =	sadd.s32 $0x8F2B, s0  }
0xbe: {  	[sflag:s0] =	ssyncadd.remote.s32 $0x1  }
0xbf: {  	_ =	sfence.sel $0xFFFF  }
0xc0: {  	[dreg:$0x0] =	wrdreg $0xFFFFFFFF;
	(pc) =	sbr.abs _section_cstart, $3  }
0xc1: {  	[dreg:$0x1] =	wrdreg $0xFFFFFFFF  }
0xc2: {  	_ =	task.clear_ibuf [dreg:s6], $0x2FFFF;
	_ =	strace $0x9FFFFFFF  }
0xc3: {  	(tm) =	ssettm $0x7FFFFFFF  }
tec
execute0_lowered:
.L_overlay_start_1:
0x0: {  	(tag) =	ssettag $0x1  }
0x1: {  	s0 =	rddreg [dreg:$0x0]  }
0x2: {  	s2 =	rddreg [dreg:$0x1]  }
0x3: {  	s3 =	rddreg [dreg:$0x2];
	s13 =	stileid.u32  }
0x4: {  	s1 =	srdreg.scid;
	s4 =	simm.s32 $0x0;
	s19 =	simm.s32 $0x7  }
0x5: {  	s28 =	simm.s32 $0x9300;
	s29 =	simm.s32 $0x2;
	s7 =	smul.u32 $0xA000, s13  }
0x6: {  	s30 =	simm.s32 $0x2A00;
	s31 =	simm.s32 $0x4;
	s21 =	smul.u32 $0x28000, s13  }
0x7: {  	s1 =	sand.u32 $0x1, s1;
	[smem:$0x7FF] =	sst s4;
	s12 =	smul.u32 $0x2680, s13  }
0x8: {  	s8 =	sadd.s32 $0x15C00, s0;
	s22 =	sshll.u32 s13, $0x6;
	s13 =	smul.u32 $0x2980, s13  }
0x9: {  	s5 =	smul.u32 $0xA0000, s1;
	_ =	strace $0x8000004A;
	s9 =	ssub.s32 $0x2, s1  }
0xa: {  	p0 =	sne.s32 s1, $0x0;
	s1 =	simm.s32 $0x5;
	s6 =	sshrl.u32 s7, $0x3  }
0xb: {  	s10 =	sshrl.u32 s9, $0x1;
	s11 =	sadd.s32 s7, s2;
	s12 =	sshrl.u32 s12, $0x3  }
0xc: {  	s13 =	sshrl.u32 s13, $0x3;
	s5 =	sadd.s32 s7, s5;
	s6 =	sadd.s32 s6, s0  }
0xd: {  	s9 =	ssub.s32 s9, s10;
	s10 =	sshrl.u32 s21, $0x2;
	s7 =	sadd.s32 s7, s3  }
0xe: {  	s12 =	sadd.s32 s8, s12;
	s13 =	sadd.s32 s8, s13;
	s18 =	sshrl.u32 s11, $0x3  }
0xf: {  	s21 =	simm.s32 $0x2980;
	s8 =	simm.s32 $0x6;
	s5 =	sshrl.u32 s5, $0x3  }
0x10: {  	s10 =	sadd.s32 s10, s3;
	s25 =	sadd.s32 $0x5300, s12;
	s26 =	sadd.s32 $0xF300, s12  }
0x11: {  	s15 =	sadd.s32 $0xA000, s13;
	s17 =	smax.u32 s9, $0x1;
	s20 =	sshrl.u32 s7, $0x3  }
0x12: {  	s0 =	sadd.s32 s5, s0;
	s5 =	sadd.s32 $0x1C00, s6;
	[dreg:$0x8] =	wrdreg s25  }
0x13: {  	s6 =	sor.u32 $0x1C07, s22;
	s14 =	sadd.s32 $0x2000, s10;
	[dreg:$0x9] =	wrdreg s26  }
.Ltmp0:
0x14: {  	s23 =	sadd.s32 $0x4000, s10;
	[dreg:$0x4] =	wrdreg s14;
	(pc) =	sbr.rel .LBB2_1-.Ltmp0, $4  }
0x15: {  	s24 =	sadd.s32 $0x6000, s10;
	s10 =	sadd.s32 $0x8000, s10;
	[dreg:$0x5] =	wrdreg s23  }
0x16: {  	s22 =	simm.s32 $0x80;
	s25 =	simm.s32 $0x1;
	[dreg:$0x6] =	wrdreg s24  }
0x17: {  	s26 =	simm.s32 $0x100;
	[dreg:$0x7] =	wrdreg s10;
	s16 =	sadd.s32 $0x29C00, s0  }
0x18: {  	v0 =	vimm.f32 $0.0e+00;
	s23 =	simm.s32 $0x5300;
	s24 =	simm.s32 $0x7300;
	s0 =	simm.s32 $0x3  }
.LBB2_4:
0x19: {  	[spmem:s3] =	stream.indirect.scatter.add.f32 [tilespmem:s24], [sflag:$0x5], $0x40, s10, s22, $0xb8;
	[tilespmem:$0x1F300] =	vst v63  }
0x1a: {  	s9 =	simm.s32 $0x5280;
	s10 =	simm.s32 $0x5200  }
0x1b: {  	s11 =	simm.s32 $0x2900;
	s12 =	simm.s32 $0x5180;
	s14 =	simm.s32 $0x2880  }
.LBB2_10:
0x1c: {  	_ =	swait.ge [sflag:s31], $0x2000  }
0x1d: {  	[sflag:s31] =	ssyncset.done $0x0  }
0x1e: {  	[sflag:s31] =	ssyncadd.s32 $0xFFFFE000  }
0x1f: {  	[tilespmem:s23], [sflag:$0x1] =	stream.indirect.gather [spmem:s2], $0x40, s14, s22, $0xb8;
	[tilespmem:$0x1F300] =	vst v63  }
0x20: {  	_ =	swait.ge [sflag:s0], $0x2000  }
0x21: {  	[sflag:s0] =	ssyncset.done $0x0  }
0x22: {  	[sflag:s0] =	ssyncadd.s32 $0xFFFFE000  }
0x23: {  	[spmem:s3] =	stream.indirect.scatter.add.f32 [tilespmem:s28], [sflag:$0x6], $0x40, s12, s22, $0xb8;
	[tilespmem:$0x1F300] =	vst v63  }
0x24: {  	_ =	swait.ge [sflag:s1], $0x2000  }
0x25: {  	[sflag:s1] =	ssyncset.done $0x0  }
0x26: {  	[sflag:s1] =	ssyncadd.s32 $0xFFFFE000  }
0x27: {  	[tilespmem:s24], [sflag:$0x2] =	stream.indirect.gather [spmem:s2], $0x40, s11, s22, $0xb8;
	[tilespmem:$0x1F300] =	vst v63  }
0x28: {  	_ =	swait.ge [sflag:s25], $0x2000  }
0x29: {  	[sflag:s25] =	ssyncset.done $0x0  }
0x2a: {  	[sflag:s25] =	ssyncadd.s32 $0xFFFFE000  }
0x2b: {  	[spmem:s3] =	stream.indirect.scatter.add.f32 [tilespmem:s23], [sflag:$0x4], $0x40, s10, s22, $0xb8;
	[tilespmem:$0x1F300] =	vst v63  }
0x2c: {  	_ =	swait.ge [sflag:s8], $0x2000  }
0x2d: {  	[sflag:s8] =	ssyncset.done $0x0  }
0x2e: {  	[sflag:s8] =	ssyncadd.s32 $0xFFFFE000  }
0x2f: {  	_ =	swait.ge [sflag:s29], $0x2000  }
0x30: {  	[sflag:s29] =	ssyncset.done $0x0  }
0x31: {  	[sflag:s29] =	ssyncadd.s32 $0xFFFFE000  }
0x32: {  	[spmem:s3] =	stream.indirect.scatter.add.f32 [tilespmem:s24], [sflag:$0x5], $0x40, s9, s22, $0xb8;
	[tilespmem:$0x1F300] =	vst v63  }
0x33: {  	_ =	swait.ge [sflag:s31], $0x2000  }
0x34: {  	[sflag:s31] =	ssyncset.done $0x0  }
0x35: {  	[sflag:s31] =	ssyncadd.s32 $0xFFFFE000  }
0x36: {  	_ =	swait.ge [sflag:s1], $0x2000  }
0x37: {  	s4 =	sadd.s32 $0x1, s4;
	[sflag:s1] =	ssyncset.done $0x0  }
0x38: {  	p1 =	sne.s32 s4, s17;
	[sflag:s1] =	ssyncadd.s32 $0xFFFFE000  }
.Ltmp1:
0x39: {  	[bflag:$0x0] =	sbarrier.arrive $0xFFFF;
	(pc) =	sbr.rel @!p1 .LBB2_11-.Ltmp1, $4  }
0x3a: {  	[hbm:s16], [sflag:s6] =	dma.local [spmem:s20], $0x1400  }
0x3b: {  	_ =	swait.ge [sflag:s19], $0x1400  }
0x3c: {  	[sflag:s19] =	ssyncset.done $0x0  }
0x3d: {  	[sflag:s19] =	ssyncadd.s32 $0xFFFFEC00  }
.LBB2_1:
.Ltmp2:
0x3e: {  	(pc) =	sbr.rel @p0 .LBB2_5-.Ltmp2, $4  }
0x3f: {  	[spmem:s18], [sflag:s6] =	dma.local [hbm:s5], $0x1400  }
0x40: {  	_ =	swait.ge [sflag:s19], $0x1400  }
0x41: {  	[sflag:s19] =	ssyncset.done $0x0  }
0x42: {  	[sflag:s19] =	ssyncadd.s32 $0xFFFFEC00  }
0x43: {  	[spmem:s20], [sflag:s6] =	dma.local [hbm:s5], $0x1400  }
0x44: {  	_ =	swait.ge [sflag:s19], $0x1400  }
0x45: {  	[sflag:s19] =	ssyncset.done $0x0  }
0x46: {  	[sflag:s19] =	ssyncadd.s32 $0xFFFFEC00  }
0x47: {  	s9 =	simm.s32 $0x0;
	[bflag:$0x0] =	sbarrier.arrive $0xFFFF  }
0x48: {  	[tilespmem:s9], [sflag:$0x7] =	stream.linear.gather [hbm4b:s13+s9], $0x2980, $0x38;
	[tilespmem:$0x1F300] =	vst v63  }
0x49: {  	_ =	swait.ge [sflag:s19], $0x2980  }
0x4a: {  	[sflag:s19] =	ssyncset.done $0x0  }
0x4b: {  	[sflag:s19] =	ssyncadd.s32 $0xFFFFD680  }
0x4c: {  	[tilespmem:s21], [sflag:$0x7] =	stream.linear.gather [hbm4b:s15+s9], $0x2980, $0x38;
	[tilespmem:$0x1F300] =	vst v63  }
0x4d: {  	_ =	swait.ge [sflag:s19], $0x2980  }
0x4e: {  	[sflag:s19] =	ssyncset.done $0x0  }
0x4f: {  	[sflag:s19] =	ssyncadd.s32 $0xFFFFD680  }
0x50: {  	[tilespmem:s23], [sflag:$0x1] =	stream.indirect.gather [spmem:s2], $0x40, s9, s22, $0xb8;
	[tilespmem:$0x1F300] =	vst v63  }
0x51: {  	_ = 	snop  }
0x52: {  	[tilespmem:s24], [sflag:$0x2] =	stream.indirect.gather [spmem:s2], $0x40, s22, s22, $0xb8;
	[tilespmem:$0x1F300] =	vst v63  }
0x53: {  	_ =	swait.ge [sflag:s25], $0x2000  }
0x54: {  	[sflag:s25] =	ssyncset.done $0x0  }
0x55: {  	[sflag:s25] =	ssyncadd.s32 $0xFFFFE000  }
0x56: {  	[spmem:s3] =	stream.indirect.scatter.add.f32 [tilespmem:s23], [sflag:$0x4], $0x40, s21, s22, $0xb8;
	[tilespmem:$0x1F300] =	vst v63  }
0x57: {  	_ = 	snop  }
0x58: {  	[tilespmem:s28], [sflag:$0x3] =	stream.indirect.gather [spmem:s2], $0x40, s26, s22, $0xb8;
	[tilespmem:$0x1F300] =	vst v63  }
0x59: {  	_ =	swait.ge [sflag:s29], $0x2000  }
0x5a: {  	[sflag:s29] =	ssyncset.done $0x0  }
0x5b: {  	[sflag:s29] =	ssyncadd.s32 $0xFFFFE000  }
0x5c: {  	[spmem:s3] =	stream.indirect.scatter.add.f32 [tilespmem:s24], [sflag:$0x5], $0x40, s30, s22, $0xb8;
	[tilespmem:$0x1F300] =	vst v63  }
0x5d: {  	_ =	swait.ge [sflag:s31], $0x2000  }
0x5e: {  	[sflag:s31] =	ssyncset.done $0x0  }
0x5f: {  	s14 =	simm.s32 $0x180;
	[sflag:s31] =	ssyncadd.s32 $0xFFFFE000  }
0x60: {  	[tilespmem:s23], [sflag:$0x1] =	stream.indirect.gather [spmem:s2], $0x40, s14, s22, $0xb8;
	[tilespmem:$0x1F300] =	vst v63  }
0x61: {  	_ =	swait.ge [sflag:s0], $0x2000  }
0x62: {  	[sflag:s0] =	ssyncset.done $0x0  }
0x63: {  	s10 =	simm.s32 $0x2A80;
	[sflag:s0] =	ssyncadd.s32 $0xFFFFE000  }
0x64: {  	[spmem:s3] =	stream.indirect.scatter.add.f32 [tilespmem:s28], [sflag:$0x6], $0x40, s10, s22, $0xb8;
	[tilespmem:$0x1F300] =	vst v63  }
0x65: {  	_ =	swait.ge [sflag:s1], $0x2000  }
0x66: {  	[sflag:s1] =	ssyncset.done $0x0  }
0x67: {  	s11 =	simm.s32 $0x200;
	[sflag:s1] =	ssyncadd.s32 $0xFFFFE000  }
0x68: {  	[tilespmem:s24], [sflag:$0x2] =	stream.indirect.gather [spmem:s2], $0x40, s11, s22, $0xb8;
	[tilespmem:$0x1F300] =	vst v63  }
0x69: {  	_ =	swait.ge [sflag:s25], $0x2000  }
0x6a: {  	[sflag:s25] =	ssyncset.done $0x0  }
0x6b: {  	s12 =	simm.s32 $0x2B00;
	[sflag:s25] =	ssyncadd.s32 $0xFFFFE000  }
0x6c: {  	[spmem:s3] =	stream.indirect.scatter.add.f32 [tilespmem:s23], [sflag:$0x4], $0x40, s12, s22, $0xb8;
	[tilespmem:$0x1F300] =	vst v63  }
0x6d: {  	_ =	swait.ge [sflag:s8], $0x2000  }
0x6e: {  	p1 =	por $0x0, $0x0;
	[sflag:s8] =	ssyncset.done $0x0  }
.Ltmp3:
0x6f: {  	s14 =	simm.s32 $0x280;
	[sflag:s8] =	ssyncadd.s32 $0xFFFFE000;
	(pc) =	sbr.rel @p1 .LBB2_4-.Ltmp3, $4  }
0x70: {  	[tilespmem:s28], [sflag:$0x3] =	stream.indirect.gather [spmem:s2], $0x40, s14, s22, $0xb8;
	[tilespmem:$0x1F300] =	vst v63  }
0x71: {  	_ =	swait.ge [sflag:s29], $0x2000  }
0x72: {  	[sflag:s29] =	ssyncset.done $0x0  }
0x73: {  	s9 =	simm.s32 $0x600;
	s10 =	simm.s32 $0x2B80;
	[sflag:s29] =	ssyncadd.s32 $0xFFFFE000  }
.LBB2_3:
0x74: {  	[spmem:s3] =	stream.indirect.scatter.add.f32 [tilespmem:s24], [sflag:$0x5], $0x40, s10, s22, $0xb8;
	[tilespmem:$0x1F300] =	vst v63  }
0x75: {  	s10 =	smov.u32 s9  }
0x76: {  	p1 =	seq.s32 s9, $0x9600;
	s9 =	sadd.s32 $0x600, s9;
	_ =	swait.ge [sflag:s31], $0x2000  }
0x77: {  	s10 =	sshra.s32 s10, $0x2;
	[sflag:s31] =	ssyncset.done $0x0  }
0x78: {  	s11 =	sadd.s32 $0x180, s10;
	[sflag:s31] =	ssyncadd.s32 $0xFFFFE000  }
0x79: {  	[tilespmem:s23], [sflag:$0x1] =	stream.indirect.gather [spmem:s2], $0x40, s11, s22, $0xb8;
	[tilespmem:$0x1F300] =	vst v63  }
0x7a: {  	_ =	swait.ge [sflag:s0], $0x2000  }
0x7b: {  	[sflag:s0] =	ssyncset.done $0x0  }
0x7c: {  	s11 =	sadd.s32 $0x2A80, s10;
	[sflag:s0] =	ssyncadd.s32 $0xFFFFE000  }
0x7d: {  	[spmem:s3] =	stream.indirect.scatter.add.f32 [tilespmem:s28], [sflag:$0x6], $0x40, s11, s22, $0xb8;
	[tilespmem:$0x1F300] =	vst v63  }
0x7e: {  	_ =	swait.ge [sflag:s1], $0x2000  }
0x7f: {  	[sflag:s1] =	ssyncset.done $0x0  }
0x80: {  	s11 =	sadd.s32 $0x200, s10;
	[sflag:s1] =	ssyncadd.s32 $0xFFFFE000  }
0x81: {  	[tilespmem:s24], [sflag:$0x2] =	stream.indirect.gather [spmem:s2], $0x40, s11, s22, $0xb8;
	[tilespmem:$0x1F300] =	vst v63  }
0x82: {  	_ =	swait.ge [sflag:s25], $0x2000  }
0x83: {  	[sflag:s25] =	ssyncset.done $0x0  }
0x84: {  	s11 =	sadd.s32 $0x2B00, s10;
	[sflag:s25] =	ssyncadd.s32 $0xFFFFE000  }
0x85: {  	[spmem:s3] =	stream.indirect.scatter.add.f32 [tilespmem:s23], [sflag:$0x4], $0x40, s11, s22, $0xb8;
	[tilespmem:$0x1F300] =	vst v63  }
0x86: {  	_ =	swait.ge [sflag:s8], $0x2000  }
0x87: {  	[sflag:s8] =	ssyncset.done $0x0  }
.Ltmp4:
0x88: {  	s11 =	sadd.s32 $0x280, s10;
	[sflag:s8] =	ssyncadd.s32 $0xFFFFE000;
	(pc) =	sbr.rel @!p1 .LBB2_3-.Ltmp4, $4  }
0x89: {  	[tilespmem:s28], [sflag:$0x3] =	stream.indirect.gather [spmem:s2], $0x40, s11, s22, $0xb8;
	[tilespmem:$0x1F300] =	vst v63  }
0x8a: {  	_ =	swait.ge [sflag:s29], $0x2000  }
0x8b: {  	[sflag:s29] =	ssyncset.done $0x0  }
0x8c: {  	s10 =	sadd.s32 $0x2B80, s10;
	[sflag:s29] =	ssyncadd.s32 $0xFFFFE000  }
.Ltmp5:
0x8d: {  	_ = 	snop;
	(pc) =	sbr.rel .LBB2_4-.Ltmp5, $1  }
0x8e: {  	_ =	sdelay $0x3  }
.LBB2_5:
0x8f: {  	s10 =	simm.s32 $0x100;
	s9 =	simm.s32 $0x0  }
.LBB2_6:
0x90: {  	p1 =	sne.s32 s10, $0x7F00;
	[tilespmem:s9+$0x5330] =	vst v0;
	s11 =	smov.u32 s10;
	s10 =	sadd.s32 $0x100, s10  }
.Ltmp6:
0x91: {  	[tilespmem:s9+$0x5320] =	vst v0;
	(pc) =	sbr.rel @p1 .LBB2_6-.Ltmp6, $3  }
0x92: {  	[tilespmem:s9+$0x5300] =	vst v0  }
0x93: {  	[tilespmem:s9+$0x5310] =	vst v0;
	_ =	sdelay $0x1  }
0x94: {  	s9 =	sshra.s32 s11, $0x2  }
0x95: {  	[tilespmem:s9+$0x5330] =	vst v0  }
0x96: {  	[tilespmem:s9+$0x5320] =	vst v0  }
0x97: {  	[tilespmem:s9+$0x5300] =	vst v0  }
0x98: {  	[tilespmem:s9+$0x5310] =	vst v0  }
0x99: {  	[spmem:s7] =	stream.linear.scatter [tilespmem:s23], [sflag:$0x7], $0x2000, $0x38;
	[tilespmem:$0x1F300] =	vst v63  }
0x9a: {  	_ =	swait.ge [sflag:s19], $0x2000  }
0x9b: {  	[sflag:s19] =	ssyncset.done $0x0  }
0x9c: {  	s11 =	rddreg [dreg:$0x4];
	[sflag:s19] =	ssyncadd.s32 $0xFFFFE000  }
0x9d: {  	[spmem:s11] =	stream.linear.scatter [tilespmem:s23], [sflag:$0x7], $0x2000, $0x38;
	[tilespmem:$0x1F300] =	vst v63  }
0x9e: {  	_ =	swait.ge [sflag:s19], $0x2000  }
0x9f: {  	[sflag:s19] =	ssyncset.done $0x0  }
0xa0: {  	s12 =	rddreg [dreg:$0x5];
	[sflag:s19] =	ssyncadd.s32 $0xFFFFE000  }
0xa1: {  	[spmem:s12] =	stream.linear.scatter [tilespmem:s23], [sflag:$0x7], $0x2000, $0x38;
	[tilespmem:$0x1F300] =	vst v63  }
0xa2: {  	_ =	swait.ge [sflag:s19], $0x2000  }
0xa3: {  	[sflag:s19] =	ssyncset.done $0x0  }
0xa4: {  	s14 =	rddreg [dreg:$0x6];
	[sflag:s19] =	ssyncadd.s32 $0xFFFFE000  }
0xa5: {  	[spmem:s14] =	stream.linear.scatter [tilespmem:s23], [sflag:$0x7], $0x2000, $0x38;
	[tilespmem:$0x1F300] =	vst v63  }
0xa6: {  	_ =	swait.ge [sflag:s19], $0x2000  }
0xa7: {  	[sflag:s19] =	ssyncset.done $0x0  }
0xa8: {  	s10 =	rddreg [dreg:$0x7];
	[sflag:s19] =	ssyncadd.s32 $0xFFFFE000  }
0xa9: {  	[spmem:s10] =	stream.linear.scatter [tilespmem:s23], [sflag:$0x7], $0x2000, $0x38;
	[tilespmem:$0x1F300] =	vst v63  }
0xaa: {  	_ =	swait.ge [sflag:s19], $0x2000  }
0xab: {  	[sflag:s19] =	ssyncset.done $0x0  }
0xac: {  	[sflag:s19] =	ssyncadd.s32 $0xFFFFE000  }
0xad: {  	[bflag:$0x0] =	sbarrier.arrive $0xFFFF  }
0xae: {  	s11 =	simm.s32 $0x0;
	s10 =	rddreg [dreg:$0x8]  }
0xaf: {  	[tilespmem:s11], [sflag:$0x7] =	stream.linear.gather [hbm4b:s10+s11], $0x2680, $0x38;
	[tilespmem:$0x1F300] =	vst v63  }
0xb0: {  	_ =	swait.ge [sflag:s19], $0x2680  }
0xb1: {  	[sflag:s19] =	ssyncset.done $0x0  }
0xb2: {  	s12 =	rddreg [dreg:$0x9];
	[sflag:s19] =	ssyncadd.s32 $0xFFFFD980  }
0xb3: {  	[tilespmem:s21], [sflag:$0x7] =	stream.linear.gather [hbm4b:s12+s11], $0x2680, $0x38;
	[tilespmem:$0x1F300] =	vst v63  }
0xb4: {  	_ =	swait.ge [sflag:s19], $0x2680  }
0xb5: {  	[sflag:s19] =	ssyncset.done $0x0  }
0xb6: {  	[sflag:s19] =	ssyncadd.s32 $0xFFFFD980  }
0xb7: {  	[tilespmem:s23], [sflag:$0x1] =	stream.indirect.gather [spmem:s2], $0x40, s11, s22, $0xb8;
	[tilespmem:$0x1F300] =	vst v63  }
0xb8: {  	_ = 	snop  }
0xb9: {  	[tilespmem:s24], [sflag:$0x2] =	stream.indirect.gather [spmem:s2], $0x40, s22, s22, $0xb8;
	[tilespmem:$0x1F300] =	vst v63  }
0xba: {  	_ =	swait.ge [sflag:s25], $0x2000  }
0xbb: {  	[sflag:s25] =	ssyncset.done $0x0  }
0xbc: {  	[sflag:s25] =	ssyncadd.s32 $0xFFFFE000  }
0xbd: {  	[spmem:s3] =	stream.indirect.scatter.add.f32 [tilespmem:s23], [sflag:$0x4], $0x40, s21, s22, $0xb8;
	[tilespmem:$0x1F300] =	vst v63  }
0xbe: {  	_ = 	snop  }
0xbf: {  	[tilespmem:s28], [sflag:$0x3] =	stream.indirect.gather [spmem:s2], $0x40, s26, s22, $0xb8;
	[tilespmem:$0x1F300] =	vst v63  }
0xc0: {  	_ =	swait.ge [sflag:s29], $0x2000  }
0xc1: {  	[sflag:s29] =	ssyncset.done $0x0  }
0xc2: {  	[sflag:s29] =	ssyncadd.s32 $0xFFFFE000  }
0xc3: {  	[spmem:s3] =	stream.indirect.scatter.add.f32 [tilespmem:s24], [sflag:$0x5], $0x40, s30, s22, $0xb8;
	[tilespmem:$0x1F300] =	vst v63  }
0xc4: {  	_ =	swait.ge [sflag:s31], $0x2000  }
0xc5: {  	[sflag:s31] =	ssyncset.done $0x0  }
0xc6: {  	s14 =	simm.s32 $0x180;
	[sflag:s31] =	ssyncadd.s32 $0xFFFFE000  }
0xc7: {  	[tilespmem:s23], [sflag:$0x1] =	stream.indirect.gather [spmem:s2], $0x40, s14, s22, $0xb8;
	[tilespmem:$0x1F300] =	vst v63  }
0xc8: {  	_ =	swait.ge [sflag:s0], $0x2000  }
0xc9: {  	[sflag:s0] =	ssyncset.done $0x0  }
0xca: {  	s10 =	simm.s32 $0x2A80;
	[sflag:s0] =	ssyncadd.s32 $0xFFFFE000  }
0xcb: {  	[spmem:s3] =	stream.indirect.scatter.add.f32 [tilespmem:s28], [sflag:$0x6], $0x40, s10, s22, $0xb8;
	[tilespmem:$0x1F300] =	vst v63  }
0xcc: {  	_ =	swait.ge [sflag:s1], $0x2000  }
0xcd: {  	[sflag:s1] =	ssyncset.done $0x0  }
0xce: {  	s11 =	simm.s32 $0x200;
	[sflag:s1] =	ssyncadd.s32 $0xFFFFE000  }
0xcf: {  	[tilespmem:s24], [sflag:$0x2] =	stream.indirect.gather [spmem:s2], $0x40, s11, s22, $0xb8;
	[tilespmem:$0x1F300] =	vst v63  }
0xd0: {  	_ =	swait.ge [sflag:s25], $0x2000  }
0xd1: {  	[sflag:s25] =	ssyncset.done $0x0  }
0xd2: {  	s12 =	simm.s32 $0x2B00;
	[sflag:s25] =	ssyncadd.s32 $0xFFFFE000  }
0xd3: {  	[spmem:s3] =	stream.indirect.scatter.add.f32 [tilespmem:s23], [sflag:$0x4], $0x40, s12, s22, $0xb8;
	[tilespmem:$0x1F300] =	vst v63  }
0xd4: {  	_ =	swait.ge [sflag:s8], $0x2000  }
0xd5: {  	[sflag:s8] =	ssyncset.done $0x0  }
0xd6: {  	s14 =	simm.s32 $0x280;
	[sflag:s8] =	ssyncadd.s32 $0xFFFFE000  }
0xd7: {  	[tilespmem:s28], [sflag:$0x3] =	stream.indirect.gather [spmem:s2], $0x40, s14, s22, $0xb8;
	[tilespmem:$0x1F300] =	vst v63  }
0xd8: {  	_ =	swait.ge [sflag:s29], $0x2000  }
0xd9: {  	[sflag:s29] =	ssyncset.done $0x0  }
0xda: {  	s9 =	simm.s32 $0x600;
	s10 =	simm.s32 $0x2B80;
	[sflag:s29] =	ssyncadd.s32 $0xFFFFE000  }
.LBB2_8:
0xdb: {  	[spmem:s3] =	stream.indirect.scatter.add.f32 [tilespmem:s24], [sflag:$0x5], $0x40, s10, s22, $0xb8;
	[tilespmem:$0x1F300] =	vst v63  }
0xdc: {  	s10 =	smov.u32 s9  }
0xdd: {  	p1 =	sne.s32 s9, $0x8A00;
	s9 =	sadd.s32 $0x600, s9;
	_ =	swait.ge [sflag:s31], $0x2000  }
0xde: {  	s10 =	sshra.s32 s10, $0x2;
	[sflag:s31] =	ssyncset.done $0x0  }
0xdf: {  	s11 =	sadd.s32 $0x180, s10;
	[sflag:s31] =	ssyncadd.s32 $0xFFFFE000  }
0xe0: {  	[tilespmem:s23], [sflag:$0x1] =	stream.indirect.gather [spmem:s2], $0x40, s11, s22, $0xb8;
	[tilespmem:$0x1F300] =	vst v63  }
0xe1: {  	_ =	swait.ge [sflag:s0], $0x2000  }
0xe2: {  	[sflag:s0] =	ssyncset.done $0x0  }
0xe3: {  	s11 =	sadd.s32 $0x2A80, s10;
	[sflag:s0] =	ssyncadd.s32 $0xFFFFE000  }
0xe4: {  	[spmem:s3] =	stream.indirect.scatter.add.f32 [tilespmem:s28], [sflag:$0x6], $0x40, s11, s22, $0xb8;
	[tilespmem:$0x1F300] =	vst v63  }
0xe5: {  	_ =	swait.ge [sflag:s1], $0x2000  }
0xe6: {  	[sflag:s1] =	ssyncset.done $0x0  }
0xe7: {  	s11 =	sadd.s32 $0x200, s10;
	[sflag:s1] =	ssyncadd.s32 $0xFFFFE000  }
0xe8: {  	[tilespmem:s24], [sflag:$0x2] =	stream.indirect.gather [spmem:s2], $0x40, s11, s22, $0xb8;
	[tilespmem:$0x1F300] =	vst v63  }
0xe9: {  	_ =	swait.ge [sflag:s25], $0x2000  }
0xea: {  	[sflag:s25] =	ssyncset.done $0x0  }
0xeb: {  	s11 =	sadd.s32 $0x2B00, s10;
	[sflag:s25] =	ssyncadd.s32 $0xFFFFE000  }
0xec: {  	[spmem:s3] =	stream.indirect.scatter.add.f32 [tilespmem:s23], [sflag:$0x4], $0x40, s11, s22, $0xb8;
	[tilespmem:$0x1F300] =	vst v63  }
0xed: {  	_ =	swait.ge [sflag:s8], $0x2000  }
0xee: {  	[sflag:s8] =	ssyncset.done $0x0  }
.Ltmp7:
0xef: {  	s11 =	sadd.s32 $0x280, s10;
	[sflag:s8] =	ssyncadd.s32 $0xFFFFE000;
	(pc) =	sbr.rel @p1 .LBB2_8-.Ltmp7, $4  }
0xf0: {  	[tilespmem:s28], [sflag:$0x3] =	stream.indirect.gather [spmem:s2], $0x40, s11, s22, $0xb8;
	[tilespmem:$0x1F300] =	vst v63  }
0xf1: {  	_ =	swait.ge [sflag:s29], $0x2000  }
0xf2: {  	[sflag:s29] =	ssyncset.done $0x0  }
0xf3: {  	s10 =	sadd.s32 $0x2B80, s10;
	[sflag:s29] =	ssyncadd.s32 $0xFFFFE000  }
.Ltmp8:
0xf4: {  	(pc) =	sbr.rel .LBB2_10-.Ltmp8, $4  }
0xf5: {  	_ = 	snop  }
0xf6: {  	[spmem:s3] =	stream.indirect.scatter.add.f32 [tilespmem:s24], [sflag:$0x5], $0x40, s10, s22, $0xb8;
	[tilespmem:$0x1F300] =	vst v63  }
0xf7: {  	s9 =	simm.s32 $0x4F80;
	s10 =	simm.s32 $0x4F00  }
0xf8: {  	s11 =	simm.s32 $0x2600;
	s12 =	simm.s32 $0x4E80;
	s14 =	simm.s32 $0x2580  }
.LBB2_11:
0xf9: {  	_ =	sfence.sel $0x180000  }
0xfa: {  	[bflag:$0x0] =	sbarrier.arrive $0xFFFF  }
0xfb: {  	_ =	strace $0x9000004A  }
0xfc: {  	s0 =	stileid.u32;
	[bflag:$0x2] =	sbarrier.arrive $0xFFFF  }
0xfd: {  	p0 =	sne.s32 s0, $0x0;
	s0 =	rddreg [dreg:$0x3]  }
0xfe: {  	s0 =	sadd.s32 @!p0 $0x100000, s0  }
0xff: {  	[sflag:s0] =	ssyncadd.tile.s32 @!p0 $0x1;
	_ =	shalt  }
.Lfunc_end2:
_tile_overlayer_lowered:
.L_overlay_start_2:
0x100: {  	(tag) =	ssettag $0x2  }
0x101: {  	s0 =	rddreg [dreg:$0x0];
	s2 =	stileid.u32  }
0x102: {  	s1 =	rddreg [dreg:$0x1];
	p0 =	sne.s32 s2, $0x0  }
0x103: {  	s3 =	rddreg [dreg:$0x2];
	[bflag:$0x3] =	sbarrier.arrive $0xFFFF;
	s2 =	simm.s32 @!p0 $0x1C07  }
0x104: {  	[timem:s3], [sflag:s2] =	dma.local @!p0 [hbm:s0], s1  }
0x105: {  	s0 =	simm.s32 @!p0 $0x7  }
0x106: {  	_ =	swait.ge @!p0 [sflag:s0], s1  }
0x107: {  	s1 =	ssub.s32 @!p0 $0x0, s1;
	[sflag:s0] =	ssyncset.done @!p0 $0x0  }
0x108: {  	[sflag:s0] =	ssyncadd.s32 @!p0 s1  }
0x109: {  	[bflag:$0x3] =	sbarrier.arrive $0xFFFF  }
0x10a: {  	_ =	shalt  }

// kernel: kernel.7.cloned.1.call-start
scs
__scs_entry_jumppad:
0x0: {  	(pc) =	sbr.rel $0x88, $3  }
0x1: {  	(tag) =	ssettag $0x0;
	lr =	simm.s32 $0x1  }
0x2: {  	[smem:$0x3F9D] =	sst lr;
	_ =	strace $0xD0000000  }
0x3: {  	_ = 	snop  }
0x4: {  	_ = 	snop  }
0x5: {  	_ = 	snop  }
0x6: {  	_ = 	snop  }
0x7: {  	_ = 	snop  }
__scs_overlays_trampoline_lowered:
0x8: {  	[smem:$0x3FAC] =	sst s0  }
0x9: {  	[smem:$0x3FAD] =	sst s1  }
0xa: {  	[smem:$0x3FAE] =	sst s2  }
0xb: {  	[smem:$0x3FAF] =	sst s3  }
0xc: {  	[smem:$0x3FB0] =	sst s4  }
0xd: {  	[smem:$0x3FB1] =	sst s5  }
0xe: {  	[smem:$0x3FB2] =	sst s6  }
0xf: {  	[smem:$0x3FB3] =	sst s7  }
0x10: {  	[smem:$0x3FB4] =	sst s8  }
0x11: {  	[smem:$0x3FB5] =	sst s9;
	s0 =	simm.s32 @!p0 $0x0  }
0x12: {  	s1 =	sld [smem:$0x3F9B];
	s0 =	simm.s32 @p0 $0x1  }
0x13: {  	[smem:$0x3FB6] =	sst s0;
	s0 =	simm.s32 @!p1 $0x0  }
0x14: {  	s2 =	sld [smem:$0x3F9A];
	s0 =	simm.s32 @p1 $0x1  }
0x15: {  	[smem:$0x3FB7] =	sst s0;
	s0 =	simm.s32 @!p2 $0x0  }
0x16: {  	s3 =	sld [smem:$0x3FDB];
	s0 =	simm.s32 @p2 $0x1  }
0x17: {  	s4 =	simm.s32 $0x1BF5;
	[smem:$0x3FB9] =	sst s0  }
0x18: {  	s0 =	sld [smem:$0x3F9C];
	_ =	swait.ge [sflag:s4], $0x0  }
0x19: {  	s7 =	sld [smem:$0x3F9D]  }
0x1a: {  	s8 =	sadd.s32 $0xFFFFE003, lr  }
0x1b: {  	s9 =	sadd.s32 $0xFFFFFEF7, lr;
	s5 =	simm.s32 $0xFFFFFFFF;
	p2 =	slt.u32 s8, $0xFFFFF086  }
0x1c: {  	p1 =	slt.u32 s9, $0xF7A;
	s5 =	simm.s32 @!p2 $0x0  }
0x1d: {  	s5 =	simm.s32 @p1 $0x1;
	p0 =	seq.s32 s7, s2  }
0x1e: {  	s7 =	smul.u32 @!p0 $0xF7A, s2;
	p2 =	seq.s32 @!p0 s5, $0x0  }
0x1f: {  	s9 =	smul.u32 $0xF7A, s1;
	s8 =	simm.s32 @!p0 $0x1BF5;
	p2 =	por !p2, p0  }
0x20: {  	[sflag:s8] =	ssyncset.s32 @!p0 $0xFFFFF086;
	s6 =	sadd.s32 @!p0 s3, s7;
	s7 =	simm.s32 @!p0 $0x108  }
0x21: {  	s3 =	sadd.s32 s3, s9;
	s6 =	sadd.s32 @!p0 $0x88, s6;
	s7 =	simm.s32 @p2 $0x1082  }
0x22: {  	[simem:s7], [sflag:s8] =	dma.local @!p0 [hbm:s6], $0xF7A  }
0x23: {  	s9 =	sor.u32 $0xD0000000, s2;
	s6 =	simm.s32 $0x108;
	_ =	swait.ge @!p0 [sflag:s8], $0x0  }
0x24: {  	s3 =	sadd.s32 $0x88, s3;
	s6 =	simm.s32 @!p1 $0x1082;
	[sflag:s4] =	ssyncset.s32 $0xFFFFF086  }
0x25: {  	[simem:s6], [sflag:s4] =	dma.local [hbm:s3], $0xF7A  }
0x26: {  	[smem:$0x3F9D] =	sst s1;
	(tag) =	ssettag s2;
	_ =	strace s9  }
0x27: {  	s1 =	sld [smem:$0x3FAD]  }
0x28: {  	s2 =	sld [smem:$0x3FAE]  }
0x29: {  	s4 =	sld [smem:$0x3FB0]  }
0x2a: {  	p0 =	seq.s32 s5, $0x0;
	s5 =	sld [smem:$0x3FB1]  }
0x2b: {  	s6 =	sld [smem:$0x3FB2]  }
0x2c: {  	s7 =	sld [smem:$0x3FB3]  }
0x2d: {  	s3 =	simm.s32 $0x108;
	s8 =	sld [smem:$0x3FB4]  }
0x2e: {  	s3 =	simm.s32 @!p0 $0x1082;
	s9 =	sld [smem:$0x3FB5]  }
0x2f: {  	lr =	sadd.s32 s0, s3;
	s0 =	sld [smem:$0x3FAC]  }
0x30: {  	s3 =	sld [smem:$0x3FAF]  }
0x31: {  	[smem:$0x3FB8] =	sst s10  }
0x32: {  	s10 =	sld [smem:$0x3FB6];
	_ =	sdelay $0x3  }
0x33: {  	p0 =	seq.s32 s10, $0x1;
	s10 =	sld [smem:$0x3FB8];
	_ =	sdelay $0x3  }
0x34: {  	[smem:$0x3FB8] =	sst s10  }
0x35: {  	s10 =	sld [smem:$0x3FB7];
	_ =	sdelay $0x3  }
0x36: {  	p1 =	seq.s32 s10, $0x1;
	s10 =	sld [smem:$0x3FB8];
	_ =	sdelay $0x3  }
0x37: {  	[smem:$0x3FB8] =	sst s10  }
0x38: {  	s10 =	sld [smem:$0x3FB9]  }
0x39: {  	_ = 	snop;
	(pc) =	sbr.ind lr, $3  }
0x3a: {  	_ = 	snop  }
0x3b: {  	_ = 	snop  }
0x3c: {  	p2 =	seq.s32 s10, $0x1;
	s10 =	sld [smem:$0x3FB8]  }
0x3d: {  	_ =	shalt  }
0x3e: {  	_ =	shalt  }
0x3f: {  	_ =	shalt  }
0x40: {  	_ =	shalt  }
0x41: {  	_ =	shalt  }
0x42: {  	_ =	shalt  }
0x43: {  	_ =	shalt  }
0x44: {  	_ =	shalt  }
0x45: {  	_ =	shalt  }
0x46: {  	_ =	shalt  }
0x47: {  	_ =	shalt  }
0x48: {  	_ =	shalt  }
0x49: {  	_ =	shalt  }
0x4a: {  	_ =	shalt  }
0x4b: {  	_ =	shalt  }
0x4c: {  	_ =	shalt  }
0x4d: {  	_ =	shalt  }
0x4e: {  	_ =	shalt  }
0x4f: {  	_ =	shalt  }
0x50: {  	_ =	shalt  }
0x51: {  	_ =	shalt  }
0x52: {  	_ =	shalt  }
0x53: {  	_ =	shalt  }
0x54: {  	_ =	shalt  }
0x55: {  	_ =	shalt  }
0x56: {  	_ =	shalt  }
0x57: {  	_ =	shalt  }
0x58: {  	_ =	shalt  }
0x59: {  	_ =	shalt  }
0x5a: {  	_ =	shalt  }
0x5b: {  	_ =	shalt  }
0x5c: {  	_ =	shalt  }
0x5d: {  	_ =	shalt  }
0x5e: {  	_ =	shalt  }
0x5f: {  	_ =	shalt  }
0x60: {  	_ =	shalt  }
0x61: {  	_ =	shalt  }
0x62: {  	_ =	shalt  }
0x63: {  	_ =	shalt  }
0x64: {  	_ =	shalt  }
0x65: {  	_ =	shalt  }
0x66: {  	_ =	shalt  }
0x67: {  	_ =	shalt  }
0x68: {  	_ =	shalt  }
0x69: {  	_ =	shalt  }
0x6a: {  	_ =	shalt  }
0x6b: {  	_ =	shalt  }
0x6c: {  	_ =	shalt  }
0x6d: {  	_ =	shalt  }
0x6e: {  	_ =	shalt  }
0x6f: {  	_ =	shalt  }
0x70: {  	_ =	shalt  }
0x71: {  	_ =	shalt  }
0x72: {  	_ =	shalt  }
0x73: {  	_ =	shalt  }
0x74: {  	_ =	shalt  }
0x75: {  	_ =	shalt  }
0x76: {  	_ =	shalt  }
0x77: {  	_ =	shalt  }
0x78: {  	_ =	shalt  }
0x79: {  	_ =	shalt  }
0x7a: {  	_ =	shalt  }
0x7b: {  	_ =	shalt  }
0x7c: {  	_ =	shalt  }
0x7d: {  	_ =	shalt  }
0x7e: {  	_ =	shalt  }
0x7f: {  	_ =	shalt  }
0x80: {  	_ =	shalt  }
0x81: {  	_ =	shalt  }
0x82: {  	_ =	shalt  }
0x83: {  	_ =	shalt  }
0x84: {  	_ =	shalt  }
0x85: {  	_ =	shalt  }
0x86: {  	_ =	shalt  }
0x87: {  	_ =	shalt  }
.Lfunc_end0:
.L_simem_size_0:
called_computation_lowered:
.L_overlay_start_0:
0x88: {  	s2 =	sld [smem:$0x3FD9]  }
0x89: {  	s3 =	sld [smem:$0x3FFE];
	_ =	sdelay $0x1  }
0x8a: {  	s1 =	srdreg.scid  }
0x8b: {  	s0 =	sand.u32 $0x1, s1  }
0x8c: {  	s17 =	sshll.u32 s0, $0xA;
	s2 =	sadd.s32 s3, s2  }
0x8d: {  	s2 =	sadd.s32 s2, s17  }
0x8e: {  	[smem:$0x3FC4] =	sst s2  }
0x8f: {  	_ = 	snop  }
0x90: {  	s2 =	sld [smem:$0x3FD0];
	(tm) =	ssettm $0x1  }
0x91: {  	s18 =	sld [smem:$0x3FFB];
	_ =	sdelay $0x3  }
0x92: {  	_ =	strace s18  }
0x93: {  	s3 =	sld [smem:$0x3FFC];
	_ =	sdelay $0x3  }
0x94: {  	_ =	strace s3  }
0x95: {  	s3 =	sld [smem:$0x3FFD];
	_ =	sdelay $0x3  }
0x96: {  	_ =	strace s3  }
0x97: {  	_ =	strace $0x8FFFFFFF  }
0x98: {  	s19 =	sld [smem:$0x3FDB];
	_ =	sdelay $0x1  }
0x99: {  	s4 =	simm.s32 $_scs_section_size  }
0x9a: {  	s5 =	simm.s32 $_size__tile_overlayer_lowered;
	s6 =	simm.s32 $_tile_overlayer_lowered  }
0x9b: {  	s22 =	simm.s32 $0x1BFF;
	s21 =	sshll.u32 s6, $0x1;
	s3 =	sadd.s32 s4, s19  }
0x9c: {  	s7 =	simm.s32 $0x0;
	s20 =	sshll.u32 s5, $0x1;
	s5 =	sadd.s32 s21, s3  }
0x9d: {  	[timem:s7], [sflag:s22] =	dma.local [hbm:s5], s20  }
0x9e: {  	_ =	swait.ge [sflag:s22], s20  }
0x9f: {  	s4 =	ssub.s32 $0x0, s20;
	[sflag:s22] =	ssyncset.done $0x0  }
0xa0: {  	[sflag:s22] =	ssyncadd.s32 s4;
	_ =	sdelay $0x1  }
0xa1: {  	s23 =	simm.s32 $0x1B8B  }
0xa2: {  	_ =	swait.ge [sflag:s23], $0x1  }
0xa3: {  	[sflag:s23] =	ssyncset.done $0x0  }
0xa4: {  	s25 =	simm.s32 $0x1B8E;
	s24 =	sld [smem:$0x3FFE];
	[sflag:s23] =	ssyncadd.s32 $0xFFFFFFFF  }
0xa5: {  	s26 =	simm.s32 $execute0_lowered;
	[smem:$0x3FD2] =	sst s25  }
0xa6: {  	s5 =	sshll.u32 s26, $0x1;
	_ =	strace $0x80000046;
	[dreg:$0x1] =	wrdreg $0xFFFFFFFF  }
0xa7: {  	s28 =	simm.s32 $_size_execute0_lowered;
	s3 =	sadd.s32 s3, s5;
	[dreg:$0x0] =	wrdreg $0x0  }
0xa8: {  	s5 =	sshll.u32 s28, $0x1;
	[dreg:$0x2] =	wrdreg s3  }
0xa9: {  	[dreg:$0x3] =	wrdreg s5  }
0xaa: {  	[dreg:$0x4] =	wrdreg $0xC0  }
0xab: {  	_ =	task [dreg:s7], $0x5FFFF  }
0xac: {  	[dreg:$0x1] =	wrdreg $0xFFFFFFFF  }
0xad: {  	[dreg:$0x0] =	wrdreg $0x60  }
0xae: {  	[dreg:$0x2] =	wrdreg s24  }
0xaf: {  	[dreg:$0x3] =	wrdreg s2  }
0xb0: {  	[dreg:$0x4] =	wrdreg $0x37000  }
0xb1: {  	[dreg:$0x5] =	wrdreg $0x9  }
0xb2: {  	_ =	task.clear_ibuf [dreg:s7], $0x6FFFF;
	_ =	strace $0x90000046  }
0xb3: {  	s29 =	simm.s32 $0x9;
	_ =	strace $0x80000048  }
0xb4: {  	_ =	swait.ge [sflag:s29], $0x1  }
0xb5: {  	[sflag:s29] =	ssyncadd.s32 $0xFFFFFFFF  }
0xb6: {  	_ =	strace $0x90000048  }
0xb7: {  	_ =	sfence  }
0xb8: {  	s30 =	sld [smem:$0x0];
	_ =	sdelay $0x2  }
0xb9: {  	s31 =	sshll.u32 s1, $0xD;
	s1 =	sshrl.u32 s1, $0x2  }
0xba: {  	s3 =	sand.u32 $0x4000, s31;
	s1 =	sadd.s32 s1, s30  }
0xbb: {  	s0 =	sor.u32 s3, s0;
	s1 =	sshll.u32 s1, $0x11  }
0xbc: {  	s0 =	sor.u32 s1, s0  }
0xbd: {  	s0 =	sadd.s32 $0x8F2B, s0  }
0xbe: {  	[sflag:s0] =	ssyncadd.remote.s32 $0x1  }
0xbf: {  	_ =	sfence.sel $0xFFFF  }
0xc0: {  	[dreg:$0x0] =	wrdreg $0xFFFFFFFF;
	(pc) =	sbr.abs _section_cstart, $3  }
0xc1: {  	[dreg:$0x1] =	wrdreg $0xFFFFFFFF  }
0xc2: {  	_ =	task.clear_ibuf [dreg:s7], $0x2FFFF;
	_ =	strace $0x9FFFFFFF  }
0xc3: {  	(tm) =	ssettm $0x7FFFFFFF  }
tec
execute0_lowered:
.L_overlay_start_1:
0x0: {  	(tag) =	ssettag $0x1  }
0x1: {  	s4 =	rddreg [dreg:$0x0]  }
0x2: {  	s7 =	rddreg [dreg:$0x1]  }
0x3: {  	s2 =	rddreg [dreg:$0x2]  }
0x4: {  	s0 =	rddreg [dreg:$0x3];
	s1 =	stileid.u32;
	s3 =	simm.s32 $0x0  }
0x5: {  	s5 =	srdreg.scid;
	s13 =	simm.s32 $0x1;
	s6 =	smul.u32 $0x280, s1  }
0x6: {  	[smem:$0x7FF] =	sst s3;
	s5 =	sand.u32 $0x1, s5;
	s8 =	smul.u32 $0x3400, s1  }
0x7: {  	s10 =	smul.u32 $0x1C00, s1;
	s11 =	sadd.s32 $0x1C00, s4;
	s14 =	sshll.u32 s1, $0x6  }
0x8: {  	_ =	strace $0x80000047;
	s9 =	ssub.s32 $0x2, s5;
	s12 =	smul.u32 $0x2800, s5  }
0x9: {  	p0 =	seq.s32 s5, $0x1;
	s14 =	sor.u32 $0x1C02, s14;
	s28 =	sshrl.u32 s9, $0x1  }
0xa: {  	s4 =	sadd.s32 s6, s2;
	s29 =	sshrl.u32 s8, $0x3;
	s30 =	sshrl.u32 s10, $0x3  }
.Ltmp0:
0xb: {  	s10 =	simm.s32 $0x2;
	s9 =	ssub.s32 s9, s28;
	(pc) =	sbr.rel .LBB2_1-.Ltmp0, $4  }
0xc: {  	s6 =	sadd.s32 s6, s12;
	s5 =	sadd.s32 s11, s29;
	s8 =	sadd.s32 s11, s30  }
0xd: {  	s11 =	simm.s32 $0x80;
	s12 =	simm.s32 $0x3400;
	s15 =	sshrl.u32 s4, $0x3  }
0xe: {  	s31 =	sshrl.u32 s6, $0x3;
	s5 =	sadd.s32 $0xA000, s5;
	s6 =	sadd.s32 $0x10800, s8  }
0xf: {  	v0 =	vimm.f32 $1.000000000e+00;
	v1 =	vimm.f32 $0.0e+00;
	s8 =	smax.u32 s9, $0x1;
	s9 =	simm.s32 $0x3480;
	s7 =	sadd.s32 s7, s31  }
.LBB2_11:
0x10: {  	[sflag:s13] =	ssyncadd.s32 $0xFFFFFF80  }
.LBB2_12:
0x11: {  	s3 =	sadd.s32 $0x1, s3  }
0x12: {  	p1 =	sne.s32 s3, s8  }
.Ltmp1:
0x13: {  	[bflag:$0x0] =	sbarrier.arrive $0xFFFF;
	(pc) =	sbr.rel @!p1 .LBB2_13-.Ltmp1, $4  }
0x14: {  	[hbm:s7], [sflag:s14] =	dma.local [spmem:s15], $0x50  }
0x15: {  	_ =	swait.ge [sflag:s10], $0x50  }
0x16: {  	[sflag:s10] =	ssyncset.done $0x0  }
0x17: {  	[sflag:s10] =	ssyncadd.s32 $0xFFFFFFB0  }
.LBB2_1:
0x18: {  	[tilespmem:$0x3400] =	vst v0  }
0x19: {  	[tilespmem:$0x3410] =	vst v0  }
0x1a: {  	[tilespmem:$0x3420] =	vst v0  }
0x1b: {  	[tilespmem:$0x3430] =	vst v0  }
0x1c: {  	[tilespmem:$0x3440] =	vst v0  }
0x1d: {  	[tilespmem:$0x3450] =	vst v0  }
0x1e: {  	[tilespmem:$0x3460] =	vst v0  }
0x1f: {  	[tilespmem:$0x3470] =	vst v0  }
0x20: {  	[tilespmem:$0x3480] =	vst v1  }
0x21: {  	[tilespmem:$0x3490] =	vst v1  }
0x22: {  	[tilespmem:$0x34A0] =	vst v1  }
0x23: {  	[tilespmem:$0x34B0] =	vst v1  }
0x24: {  	[tilespmem:$0x34C0] =	vst v1  }
0x25: {  	[tilespmem:$0x34D0] =	vst v1  }
0x26: {  	[tilespmem:$0x34E0] =	vst v1  }
0x27: {  	[tilespmem:$0x34F0] =	vst v1  }
0x28: {  	[tilespmem:$0x3500] =	vst v1  }
0x29: {  	[tilespmem:$0x3510] =	vst v1  }
0x2a: {  	[tilespmem:$0x3520] =	vst v1  }
0x2b: {  	[tilespmem:$0x3530] =	vst v1  }
0x2c: {  	[tilespmem:$0x3540] =	vst v1  }
0x2d: {  	[tilespmem:$0x3550] =	vst v1  }
0x2e: {  	[tilespmem:$0x3560] =	vst v1  }
0x2f: {  	[tilespmem:$0x3570] =	vst v1  }
0x30: {  	[tilespmem:$0x3580] =	vst v1  }
0x31: {  	[tilespmem:$0x3590] =	vst v1  }
0x32: {  	[tilespmem:$0x35A0] =	vst v1  }
0x33: {  	[tilespmem:$0x35B0] =	vst v1  }
0x34: {  	[tilespmem:$0x35C0] =	vst v1  }
0x35: {  	[tilespmem:$0x35D0] =	vst v1  }
0x36: {  	[tilespmem:$0x35E0] =	vst v1  }
0x37: {  	[tilespmem:$0x35F0] =	vst v1  }
0x38: {  	[tilespmem:$0x3600] =	vst v1  }
0x39: {  	[tilespmem:$0x3610] =	vst v1  }
0x3a: {  	[tilespmem:$0x3620] =	vst v1  }
0x3b: {  	[tilespmem:$0x3630] =	vst v1  }
0x3c: {  	[tilespmem:$0x3640] =	vst v1  }
0x3d: {  	[tilespmem:$0x3650] =	vst v1  }
0x3e: {  	[tilespmem:$0x3660] =	vst v1  }
0x3f: {  	[tilespmem:$0x3670] =	vst v1  }
0x40: {  	[tilespmem:$0x3680] =	vst v1  }
0x41: {  	[tilespmem:$0x3690] =	vst v1  }
0x42: {  	[tilespmem:$0x36A0] =	vst v1  }
0x43: {  	[tilespmem:$0x36B0] =	vst v1  }
0x44: {  	[tilespmem:$0x36C0] =	vst v1  }
0x45: {  	[tilespmem:$0x36D0] =	vst v1  }
0x46: {  	[tilespmem:$0x36E0] =	vst v1  }
0x47: {  	[tilespmem:$0x36F0] =	vst v1  }
0x48: {  	[spmem:s4] =	stream.linear.scatter [tilespmem:s9], [sflag:$0x2], $0x280, $0x38;
	[tilespmem:$0x3980] =	vst v63  }
.Ltmp2:
0x49: {  	_ =	swait.ge [sflag:s10], $0x280;
	(pc) =	sbr.rel @!p0 .LBB2_2-.Ltmp2, $4  }
0x4a: {  	[sflag:s10] =	ssyncset.done $0x0  }
0x4b: {  	[sflag:s10] =	ssyncadd.s32 $0xFFFFFD80  }
0x4c: {  	[bflag:$0x0] =	sbarrier.arrive $0xFFFF  }
0x4d: {  	s16 =	simm.s32 $0x0  }
0x4e: {  	[tilespmem:s16], [sflag:$0x2] =	stream.linear.gather [hbm4b:s6+s16], $0x1C00, $0x38;
	[tilespmem:$0x3980] =	vst v63  }
0x4f: {  	_ =	swait.ge [sflag:s10], $0x1C00  }
0x50: {  	[sflag:s10] =	ssyncset.done $0x0  }
0x51: {  	[sflag:s10] =	ssyncadd.s32 $0xFFFFE400  }
.LBB2_8:
0x52: {  	p1 =	sne.s32 s16, $0x6E00  }
.Ltmp3:
0x53: {  	_ = 	snop;
	(pc) =	sbr.rel @p1 .LBB2_8-.Ltmp3, $3  }
0x54: {  	_ =	sdelay $0x1  }
0x55: {  	s17 =	sshra.s32 s16, $0x2;
	s16 =	sadd.s32 $0x200, s16  }
0x56: {  	[spmem:s2] =	stream.indirect.scatter.add.f32 [tilespmem:s12], [sflag:$0x1], $0x1, s17, s11, $0xb8;
	[tilespmem:$0x3980] =	vst v63  }
0x57: {  	_ =	swait.ge [sflag:s13], $0x80  }
0x58: {  	s16 =	simm.s32 $0x37;
	[sflag:s13] =	ssyncset.done $0x0  }
.LBB2_10:
0x59: {  	p1 =	sne.s32 s16, $0x1;
	s16 =	sadd.s32 $0xFFFFFFFF, s16;
	[sflag:s13] =	ssyncadd.s32 $0xFFFFFF80  }
.Ltmp4:
0x5a: {  	(pc) =	sbr.rel @p1 .LBB2_10-.Ltmp4, $3  }
0x5b: {  	_ =	sdelay $0x1  }
0x5c: {  	_ =	swait.ge [sflag:s13], $0x80  }
0x5d: {  	[sflag:s13] =	ssyncset.done $0x0  }
.Ltmp5:
0x5e: {  	_ = 	snop;
	(pc) =	sbr.rel .LBB2_11-.Ltmp5, $1  }
0x5f: {  	_ =	sdelay $0x3  }
.LBB2_2:
0x60: {  	[tilespmem:s16], [sflag:$0x2] =	stream.linear.gather [hbm4b:s5+s16], $0x3400, $0x38;
	[tilespmem:$0x3980] =	vst v63  }
0x61: {  	_ =	swait.ge [sflag:s10], $0x3400  }
0x62: {  	[sflag:s10] =	ssyncset.done $0x0  }
0x63: {  	[sflag:s10] =	ssyncadd.s32 $0xFFFFCC00  }
.LBB2_3:
0x64: {  	p1 =	sne.s32 s16, $0xCE00  }
.Ltmp6:
0x65: {  	_ = 	snop;
	(pc) =	sbr.rel @p1 .LBB2_3-.Ltmp6, $3  }
0x66: {  	_ =	sdelay $0x1  }
0x67: {  	s17 =	sshra.s32 s16, $0x2;
	s16 =	sadd.s32 $0x200, s16  }
0x68: {  	[spmem:s2] =	stream.indirect.scatter.add.f32 [tilespmem:s12], [sflag:$0x1], $0x1, s17, s11, $0xb8;
	[tilespmem:$0x3980] =	vst v63  }
0x69: {  	_ =	swait.ge [sflag:s13], $0x80  }
0x6a: {  	s16 =	simm.s32 $0x67;
	[sflag:s13] =	ssyncset.done $0x0  }
.LBB2_5:
0x6b: {  	p1 =	seq.s32 s16, $0x1;
	s16 =	sadd.s32 $0xFFFFFFFF, s16;
	[sflag:s13] =	ssyncadd.s32 $0xFFFFFF80  }
.Ltmp7:
0x6c: {  	(pc) =	sbr.rel @!p1 .LBB2_5-.Ltmp7, $3  }
0x6d: {  	_ =	sdelay $0x1  }
0x6e: {  	_ =	swait.ge [sflag:s13], $0x80  }
0x6f: {  	[sflag:s13] =	ssyncset.done $0x0  }
.Ltmp8:
0x70: {  	(pc) =	sbr.rel .LBB2_12-.Ltmp8, $2  }
0x71: {  	_ =	sdelay $0x2  }
0x72: {  	[sflag:s13] =	ssyncadd.s32 $0xFFFFFF80  }
.LBB2_13:
0x73: {  	_ =	sfence.sel $0x180000  }
0x74: {  	[bflag:$0x0] =	sbarrier.arrive $0xFFFF  }
0x75: {  	p0 =	sne.s32 s1, $0x0;
	_ =	strace $0x90000047  }
0x76: {  	s0 =	sadd.s32 @!p0 $0x100000, s0;
	[bflag:$0x2] =	sbarrier.arrive $0xFFFF  }
0x77: {  	[sflag:s0] =	ssyncadd.tile.s32 @!p0 $0x1;
	_ =	shalt  }
.Lfunc_end2:
_tile_overlayer_lowered:
.L_overlay_start_2:
0x78: {  	(tag) =	ssettag $0x2  }
0x79: {  	s0 =	rddreg [dreg:$0x0];
	s2 =	stileid.u32  }
0x7a: {  	s1 =	rddreg [dreg:$0x1];
	p0 =	sne.s32 s2, $0x0  }
0x7b: {  	s3 =	rddreg [dreg:$0x2];
	[bflag:$0x3] =	sbarrier.arrive $0xFFFF;
	s2 =	simm.s32 @!p0 $0x1C02  }
0x7c: {  	[timem:s3], [sflag:s2] =	dma.local @!p0 [hbm:s0], s1  }
0x7d: {  	s0 =	simm.s32 @!p0 $0x2  }
0x7e: {  	_ =	swait.ge @!p0 [sflag:s0], s1  }
0x7f: {  	s1 =	ssub.s32 @!p0 $0x0, s1;
	[sflag:s0] =	ssyncset.done @!p0 $0x0  }
0x80: {  	[sflag:s0] =	ssyncadd.s32 @!p0 s1  }
0x81: {  	[bflag:$0x3] =	sbarrier.arrive $0xFFFF  }
0x82: {  	_ =	shalt  }

</sc_bundles>
